<compile_context>
chip_gen: v7x
topology: tpu7x:2x2x1
jax: 0.10.2.dev20260603
libtpu: 0.0.44.dev20260713+nightly
codegen_flags: <defaults>
</compile_context>

<pallas_src>
import jax
import jax.numpy as jnp
from jax import lax
from jax.experimental import pallas as pl
from jax.experimental.pallas import tpu as pltpu
from jax.experimental.pallas import tpu_sc as plsc

NUM_CAMS = 100000
N_RAYS = 16384
L = 16
NC = 2
NS = 16
NW = NC * NS
BPW = N_RAYS // NW
IDXC = 128
NIDX = BPW // IDXC
NB = N_RAYS // 128
BPWB = BPW // 128

_A_COEF = (1.0 / 362880.0, -1.0 / 5040.0, 1.0 / 120.0, -1.0 / 6.0, 1.0)
_B_COEF = (1.0 / 3628800.0, -1.0 / 40320.0, 1.0 / 720.0, -1.0 / 24.0, 0.5)


def _poly(coef, t):
    acc = jnp.full((L,), coef[0], jnp.float32)
    for c in coef[1:]:
        acc = acc * t + c
    return acc


def _body(cam_hbm, rt_hbm, out_hbm, idx0, comp, ocomp, sems):
    wid = lax.axis_index("s") * NC + lax.axis_index("c")
    base = wid * BPW

    pltpu.sync_copy(cam_hbm.at[pl.ds(base, BPW)], idx0)

    copies = [
        pltpu.async_copy(rt_hbm.at[j].at[idx0], comp.at[j], sems.at[j])
        for j in range(6)
    ]

    zero = jnp.zeros((L,), jnp.float32)
    one = jnp.full((L,), 1.0, jnp.float32)

    def chunk(b, ci, _):
        sl = pl.ds(b * IDXC + ci * L, L)
        r0 = comp[0, sl]
        r1 = comp[1, sl]
        r2 = comp[2, sl]
        t0 = comp[3, sl]
        t1 = comp[4, sl]
        t2 = comp[5, sl]

        th2 = r0 * r0 + r1 * r1 + r2 * r2
        A = _poly(_A_COEF, th2)
        B = _poly(_B_COEF, th2)

        ar0, ar1, ar2 = A * r0, A * r1, A * r2
        br0, br1, br2 = B * r0, B * r1, B * r2
        d = 1.0 - B * th2

        vals = (
            d + br0 * r0, br0 * r1 - ar2, br0 * r2 + ar1, t0,
            br1 * r0 + ar2, d + br1 * r1, br1 * r2 - ar0, t1,
            br2 * r0 - ar1, br2 * r1 + ar0, d + br2 * r2, t2,
            zero, zero, zero, one,
        )
        osl = pl.ds(ci * L, L)
        for q, v in enumerate(vals):
            ocomp[q // 4, b, q % 4, osl] = v
        return 0

    for c in copies:
        c.wait()
    for k in range(NIDX):
        lax.fori_loop(0, IDXC // L, lambda ci, a: chunk(k, ci, a), 0)

    pltpu.sync_copy(ocomp, out_hbm.at[:, pl.ds(wid * BPWB, BPWB)])


def kernel(cam_id, r, t):
    mesh = plsc.VectorSubcoreMesh(core_axis_name="c", subcore_axis_name="s")
    rt_flat = jnp.concatenate([jnp.transpose(r), jnp.transpose(t)], axis=0)
    out_t = pl.kernel(
        _body,
        out_type=jax.ShapeDtypeStruct((4, NB, 4, 128), jnp.float32),
        mesh=mesh,
        compiler_params=pltpu.CompilerParams(
            skip_device_barrier=True, use_tc_tiling_on_sc=False),
        scratch_types=[
            pltpu.VMEM((BPW,), jnp.int32),
            pltpu.VMEM((6, BPW), jnp.float32),
            pltpu.VMEM((4, BPWB, 4, 128), jnp.float32),
            pltpu.SemaphoreType.DMA((6,)),
        ],
    )(cam_id.astype(jnp.int32), rt_flat)
    return jnp.transpose(out_t, (1, 3, 0, 2)).reshape(N_RAYS, 4, 4)

# --- scband reference (transcript-rebuilt; emitter-appended) ---
"""Pipeline reference for scband-learn-pose-10187662426213 (READ-ONLY COPY).

The authoritative reference and input builder live on the scoring server;
editing this copy changes nothing except your own understanding.
"""

import jax, jax.numpy as jnp
import numpy as np

NUM_CAMS = 100000
N_RAYS = 16384


def setup_inputs(seed: int = 0) -> dict:
    key = jax.random.key(seed)
    k1, k2, k3 = jax.random.split(key, 3)
    cam_id = jax.random.randint(k1, (N_RAYS,), 0, NUM_CAMS, dtype=jnp.int64 if jax.config.jax_enable_x64 else jnp.int32)
    # Learned per-camera pose parameters (module inits to zeros; use small random
    # values so the Rodrigues map and gradients are non-degenerate).
    r = jax.random.normal(k2, (NUM_CAMS, 3), dtype=jnp.float32) * 0.1
    t = jax.random.normal(k3, (NUM_CAMS, 3), dtype=jnp.float32) * 0.1
    return {"cam_id": cam_id, "r": r, "t": t}


def vec2skew(v):
    # v: [N, 3] -> [N, 3, 3]
    z = jnp.zeros_like(v[..., 0])
    row0 = jnp.stack([z, -v[..., 2], v[..., 1]], axis=-1)
    row1 = jnp.stack([v[..., 2], z, -v[..., 0]], axis=-1)
    row2 = jnp.stack([-v[..., 1], v[..., 0], z], axis=-1)
    return jnp.stack([row0, row1, row2], axis=-2)


def exp_so3(r):
    # Rodrigues formula: so3 -> SO3. r: [N, 3] -> [N, 3, 3]
    skew = vec2skew(r)
    norm = jnp.linalg.norm(r, axis=-1)[..., None, None] + 1e-15
    eye = jnp.eye(3, dtype=r.dtype)
    R = eye + (jnp.sin(norm) / norm) * skew + ((1.0 - jnp.cos(norm)) / (norm ** 2)) * jnp.matmul(skew, skew)
    return R


def make_c2w(r, t):
    R = exp_so3(r)                                   # [N, 3, 3]
    c2w34 = jnp.concatenate([R, t[..., None]], -1)   # [N, 3, 4]
    bottom = jnp.broadcast_to(jnp.array([0.0, 0.0, 0.0, 1.0], dtype=c2w34.dtype), (c2w34.shape[0], 1, 4))
    return jnp.concatenate([c2w34, bottom], axis=1)  # [N, 4, 4]


def reference(cam_id, r, t):
    # Embedding-style gather of per-camera pose params, then SE3 construction.
    r_g = jnp.take(r, cam_id, axis=0)   # [n_rays, 3]
    t_g = jnp.take(t, cam_id, axis=0)   # [n_rays, 3]
    c2ws = make_c2w(r_g, t_g)           # [n_rays, 4, 4]
    return c2ws

if __name__ == "__main__":
    import jax
    _d = setup_inputs()
    print(jax.jit(kernel)(*tuple(_d.values())))

</pallas_src>

<mosaic_0001>
#map = affine_map<(d0, d1) -> (0)>
#map1 = affine_map<(d0, d1) -> (0, 0)>
#map2 = affine_map<(d0, d1) -> (0, 0, 0, 0)>
module attributes {stable_mosaic.version = 14 : i64} {
  func.func @_body(%arg0: i32, %arg1: i32, %arg2: memref<16384xi32, #tpu.memory_space<hbm>>, %arg3: memref<6x100000xf32, #tpu.memory_space<hbm>>, %arg4: memref<4x128x4x128xf32, #tpu.memory_space<hbm>>, %arg5: memref<512xi32, #tpu.memory_space<vmem>>, %arg6: memref<6x512xf32, #tpu.memory_space<vmem>>, %arg7: memref<4x4x4x128xf32, #tpu.memory_space<vmem>>, %arg8: memref<6x!tpu.dma_semaphore, #tpu.memory_space<semaphore_mem>>) attributes {dimension_semantics = [#tpu.dimension_semantics<core_parallel>, #tpu.dimension_semantics<subcore_parallel>], iteration_bounds = array<i64: 2, 16>, scalar_prefetch = 0 : i64, scratch_operands = 4 : i64, tpu.core_type = #tpu.core_type<sc_vector_subcore>, window_params = [{transform_indices = #map}, {transform_indices = #map1}, {transform_indices = #map2}]} {
    %mul3A = arith.constant 2 : i32
    %mul3A_0 = arith.muli %arg1, %mul3A : i32
    %add3A = arith.addi %mul3A_0, %arg0 : i32
    %mul3A_1 = arith.constant 512 : i32
    %mul3A_2 = arith.muli %add3A, %mul3A_1 : i32
    "tpu.region"() ({
      %run_scoped3A = tpu.sem_alloc : memref<!tpu.dma_semaphore, #tpu.memory_space<semaphore_mem>>
      %dma_start3A_189 = tpu.memref_slice %arg2[%mul3A_2] : memref<16384xi32, #tpu.memory_space<hbm>> -> memref<512xi32, #tpu.memory_space<hbm>>
      %dma_start3A_190 = tpu.memref_slice %arg2[%mul3A_2] : memref<16384xi32, #tpu.memory_space<hbm>> -> memref<512xi32, #tpu.memory_space<hbm>>
      tpu.enqueue_dma source(%dma_start3A_190 : memref<512xi32, #tpu.memory_space<hbm>>) target(%arg5 : memref<512xi32, #tpu.memory_space<vmem>>) target_semaphore(%run_scoped3A : memref<!tpu.dma_semaphore, #tpu.memory_space<semaphore_mem>>)
      %dma_wait3A_191 = tpu.memref_slice %arg2[%mul3A_2] : memref<16384xi32, #tpu.memory_space<hbm>> -> memref<512xi32, #tpu.memory_space<hbm>>
      %dma_wait3A_192 = tpu.memref_slice %arg2[%mul3A_2] : memref<16384xi32, #tpu.memory_space<hbm>> -> memref<512xi32, #tpu.memory_space<hbm>>
      tpu.wait_dma2 semaphore(%run_scoped3A : memref<!tpu.dma_semaphore, #tpu.memory_space<semaphore_mem>>) src(%dma_wait3A_192 : memref<512xi32, #tpu.memory_space<hbm>>) dst(%arg5 : memref<512xi32, #tpu.memory_space<vmem>>)
      tpu.yield
    }) : () -> ()
    %dma_start3A = arith.constant 0 : i32
    %dma_start3A_3 = arith.constant 0 : i32
    %dma_start3A_4 = arith.constant 0 : i32
    %dma_start3A_5 = arith.constant 0 : i32
    %dma_start3A_6 = tpu.memref_slice %arg6[%dma_start3A_3, %dma_start3A_5] : memref<6x512xf32, #tpu.memory_space<vmem>> -> memref<1x512xf32, #tpu.memory_space<vmem>>
    %dma_start3A_7 = tpu.memref_squeeze %dma_start3A_6 : memref<1x512xf32, #tpu.memory_space<vmem>> -> memref<512xf32, #tpu.memory_space<vmem>>
    %dma_start3A_8 = arith.constant 0 : i32
    %dma_start3A_9 = tpu.memref_slice %arg3[%dma_start3A, %dma_start3A_8] : memref<6x100000xf32, #tpu.memory_space<hbm>> -> memref<1x100000xf32, #tpu.memory_space<hbm>>
    %dma_start3A_10 = tpu.memref_squeeze %dma_start3A_9 : memref<1x100000xf32, #tpu.memory_space<hbm>> -> memref<100000xf32, #tpu.memory_space<hbm>>
    %dma_start3A_11 = arith.constant 0 : i32
    %dma_start3A_12 = tpu.memref_slice %dma_start3A_10[%dma_start3A_11] : memref<100000xf32, #tpu.memory_space<hbm>> -> memref<100000xf32, #tpu.memory_space<hbm>>
    %dma_start3A_13 = tpu.memref_slice %arg8[%dma_start3A_4] : memref<6x!tpu.dma_semaphore, #tpu.memory_space<semaphore_mem>> -> memref<1x!tpu.dma_semaphore, #tpu.memory_space<semaphore_mem>>
    %dma_start3A_14 = tpu.memref_squeeze %dma_start3A_13 : memref<1x!tpu.dma_semaphore, #tpu.memory_space<semaphore_mem>> -> memref<!tpu.dma_semaphore, #tpu.memory_space<semaphore_mem>>
    tpu.enqueue_indirect_dma source(%dma_start3A_12 : memref<100000xf32, #tpu.memory_space<hbm>>) target(%dma_start3A_7 : memref<512xf32, #tpu.memory_space<vmem>>) offsets(%arg5 : memref<512xi32, #tpu.memory_space<vmem>>) semaphore(%dma_start3A_14 : memref<!tpu.dma_semaphore, #tpu.memory_space<semaphore_mem>>)
    %dma_start3A_15 = arith.constant 1 : i32
    %dma_start3A_16 = arith.constant 1 : i32
    %dma_start3A_17 = arith.constant 1 : i32
    %dma_start3A_18 = arith.constant 0 : i32
    %dma_start3A_19 = tpu.memref_slice %arg6[%dma_start3A_16, %dma_start3A_18] : memref<6x512xf32, #tpu.memory_space<vmem>> -> memref<1x512xf32, #tpu.memory_space<vmem>>
    %dma_start3A_20 = tpu.memref_squeeze %dma_start3A_19 : memref<1x512xf32, #tpu.memory_space<vmem>> -> memref<512xf32, #tpu.memory_space<vmem>>
    %dma_start3A_21 = arith.constant 0 : i32
    %dma_start3A_22 = tpu.memref_slice %arg3[%dma_start3A_15, %dma_start3A_21] : memref<6x100000xf32, #tpu.memory_space<hbm>> -> memref<1x100000xf32, #tpu.memory_space<hbm>>
    %dma_start3A_23 = tpu.memref_squeeze %dma_start3A_22 : memref<1x100000xf32, #tpu.memory_space<hbm>> -> memref<100000xf32, #tpu.memory_space<hbm>>
    %dma_start3A_24 = arith.constant 0 : i32
    %dma_start3A_25 = tpu.memref_slice %dma_start3A_23[%dma_start3A_24] : memref<100000xf32, #tpu.memory_space<hbm>> -> memref<100000xf32, #tpu.memory_space<hbm>>
    %dma_start3A_26 = tpu.memref_slice %arg8[%dma_start3A_17] : memref<6x!tpu.dma_semaphore, #tpu.memory_space<semaphore_mem>> -> memref<1x!tpu.dma_semaphore, #tpu.memory_space<semaphore_mem>>
    %dma_start3A_27 = tpu.memref_squeeze %dma_start3A_26 : memref<1x!tpu.dma_semaphore, #tpu.memory_space<semaphore_mem>> -> memref<!tpu.dma_semaphore, #tpu.memory_space<semaphore_mem>>
    tpu.enqueue_indirect_dma source(%dma_start3A_25 : memref<100000xf32, #tpu.memory_space<hbm>>) target(%dma_start3A_20 : memref<512xf32, #tpu.memory_space<vmem>>) offsets(%arg5 : memref<512xi32, #tpu.memory_space<vmem>>) semaphore(%dma_start3A_27 : memref<!tpu.dma_semaphore, #tpu.memory_space<semaphore_mem>>)
    %dma_start3A_28 = arith.constant 2 : i32
    %dma_start3A_29 = arith.constant 2 : i32
    %dma_start3A_30 = arith.constant 2 : i32
    %dma_start3A_31 = arith.constant 0 : i32
    %dma_start3A_32 = tpu.memref_slice %arg6[%dma_start3A_29, %dma_start3A_31] : memref<6x512xf32, #tpu.memory_space<vmem>> -> memref<1x512xf32, #tpu.memory_space<vmem>>
    %dma_start3A_33 = tpu.memref_squeeze %dma_start3A_32 : memref<1x512xf32, #tpu.memory_space<vmem>> -> memref<512xf32, #tpu.memory_space<vmem>>
    %dma_start3A_34 = arith.constant 0 : i32
    %dma_start3A_35 = tpu.memref_slice %arg3[%dma_start3A_28, %dma_start3A_34] : memref<6x100000xf32, #tpu.memory_space<hbm>> -> memref<1x100000xf32, #tpu.memory_space<hbm>>
    %dma_start3A_36 = tpu.memref_squeeze %dma_start3A_35 : memref<1x100000xf32, #tpu.memory_space<hbm>> -> memref<100000xf32, #tpu.memory_space<hbm>>
    %dma_start3A_37 = arith.constant 0 : i32
    %dma_start3A_38 = tpu.memref_slice %dma_start3A_36[%dma_start3A_37] : memref<100000xf32, #tpu.memory_space<hbm>> -> memref<100000xf32, #tpu.memory_space<hbm>>
    %dma_start3A_39 = tpu.memref_slice %arg8[%dma_start3A_30] : memref<6x!tpu.dma_semaphore, #tpu.memory_space<semaphore_mem>> -> memref<1x!tpu.dma_semaphore, #tpu.memory_space<semaphore_mem>>
    %dma_start3A_40 = tpu.memref_squeeze %dma_start3A_39 : memref<1x!tpu.dma_semaphore, #tpu.memory_space<semaphore_mem>> -> memref<!tpu.dma_semaphore, #tpu.memory_space<semaphore_mem>>
    tpu.enqueue_indirect_dma source(%dma_start3A_38 : memref<100000xf32, #tpu.memory_space<hbm>>) target(%dma_start3A_33 : memref<512xf32, #tpu.memory_space<vmem>>) offsets(%arg5 : memref<512xi32, #tpu.memory_space<vmem>>) semaphore(%dma_start3A_40 : memref<!tpu.dma_semaphore, #tpu.memory_space<semaphore_mem>>)
    %dma_start3A_41 = arith.constant 3 : i32
    %dma_start3A_42 = arith.constant 3 : i32
    %dma_start3A_43 = arith.constant 3 : i32
    %dma_start3A_44 = arith.constant 0 : i32
    %dma_start3A_45 = tpu.memref_slice %arg6[%dma_start3A_42, %dma_start3A_44] : memref<6x512xf32, #tpu.memory_space<vmem>> -> memref<1x512xf32, #tpu.memory_space<vmem>>
    %dma_start3A_46 = tpu.memref_squeeze %dma_start3A_45 : memref<1x512xf32, #tpu.memory_space<vmem>> -> memref<512xf32, #tpu.memory_space<vmem>>
    %dma_start3A_47 = arith.constant 0 : i32
    %dma_start3A_48 = tpu.memref_slice %arg3[%dma_start3A_41, %dma_start3A_47] : memref<6x100000xf32, #tpu.memory_space<hbm>> -> memref<1x100000xf32, #tpu.memory_space<hbm>>
    %dma_start3A_49 = tpu.memref_squeeze %dma_start3A_48 : memref<1x100000xf32, #tpu.memory_space<hbm>> -> memref<100000xf32, #tpu.memory_space<hbm>>
    %dma_start3A_50 = arith.constant 0 : i32
    %dma_start3A_51 = tpu.memref_slice %dma_start3A_49[%dma_start3A_50] : memref<100000xf32, #tpu.memory_space<hbm>> -> memref<100000xf32, #tpu.memory_space<hbm>>
    %dma_start3A_52 = tpu.memref_slice %arg8[%dma_start3A_43] : memref<6x!tpu.dma_semaphore, #tpu.memory_space<semaphore_mem>> -> memref<1x!tpu.dma_semaphore, #tpu.memory_space<semaphore_mem>>
    %dma_start3A_53 = tpu.memref_squeeze %dma_start3A_52 : memref<1x!tpu.dma_semaphore, #tpu.memory_space<semaphore_mem>> -> memref<!tpu.dma_semaphore, #tpu.memory_space<semaphore_mem>>
    tpu.enqueue_indirect_dma source(%dma_start3A_51 : memref<100000xf32, #tpu.memory_space<hbm>>) target(%dma_start3A_46 : memref<512xf32, #tpu.memory_space<vmem>>) offsets(%arg5 : memref<512xi32, #tpu.memory_space<vmem>>) semaphore(%dma_start3A_53 : memref<!tpu.dma_semaphore, #tpu.memory_space<semaphore_mem>>)
    %dma_start3A_54 = arith.constant 4 : i32
    %dma_start3A_55 = arith.constant 4 : i32
    %dma_start3A_56 = arith.constant 4 : i32
    %dma_start3A_57 = arith.constant 0 : i32
    %dma_start3A_58 = tpu.memref_slice %arg6[%dma_start3A_55, %dma_start3A_57] : memref<6x512xf32, #tpu.memory_space<vmem>> -> memref<1x512xf32, #tpu.memory_space<vmem>>
    %dma_start3A_59 = tpu.memref_squeeze %dma_start3A_58 : memref<1x512xf32, #tpu.memory_space<vmem>> -> memref<512xf32, #tpu.memory_space<vmem>>
    %dma_start3A_60 = arith.constant 0 : i32
    %dma_start3A_61 = tpu.memref_slice %arg3[%dma_start3A_54, %dma_start3A_60] : memref<6x100000xf32, #tpu.memory_space<hbm>> -> memref<1x100000xf32, #tpu.memory_space<hbm>>
    %dma_start3A_62 = tpu.memref_squeeze %dma_start3A_61 : memref<1x100000xf32, #tpu.memory_space<hbm>> -> memref<100000xf32, #tpu.memory_space<hbm>>
    %dma_start3A_63 = arith.constant 0 : i32
    %dma_start3A_64 = tpu.memref_slice %dma_start3A_62[%dma_start3A_63] : memref<100000xf32, #tpu.memory_space<hbm>> -> memref<100000xf32, #tpu.memory_space<hbm>>
    %dma_start3A_65 = tpu.memref_slice %arg8[%dma_start3A_56] : memref<6x!tpu.dma_semaphore, #tpu.memory_space<semaphore_mem>> -> memref<1x!tpu.dma_semaphore, #tpu.memory_space<semaphore_mem>>
    %dma_start3A_66 = tpu.memref_squeeze %dma_start3A_65 : memref<1x!tpu.dma_semaphore, #tpu.memory_space<semaphore_mem>> -> memref<!tpu.dma_semaphore, #tpu.memory_space<semaphore_mem>>
    tpu.enqueue_indirect_dma source(%dma_start3A_64 : memref<100000xf32, #tpu.memory_space<hbm>>) target(%dma_start3A_59 : memref<512xf32, #tpu.memory_space<vmem>>) offsets(%arg5 : memref<512xi32, #tpu.memory_space<vmem>>) semaphore(%dma_start3A_66 : memref<!tpu.dma_semaphore, #tpu.memory_space<semaphore_mem>>)
    %dma_start3A_67 = arith.constant 5 : i32
    %dma_start3A_68 = arith.constant 5 : i32
    %dma_start3A_69 = arith.constant 5 : i32
    %dma_start3A_70 = arith.constant 0 : i32
    %dma_start3A_71 = tpu.memref_slice %arg6[%dma_start3A_68, %dma_start3A_70] : memref<6x512xf32, #tpu.memory_space<vmem>> -> memref<1x512xf32, #tpu.memory_space<vmem>>
    %dma_start3A_72 = tpu.memref_squeeze %dma_start3A_71 : memref<1x512xf32, #tpu.memory_space<vmem>> -> memref<512xf32, #tpu.memory_space<vmem>>
    %dma_start3A_73 = arith.constant 0 : i32
    %dma_start3A_74 = tpu.memref_slice %arg3[%dma_start3A_67, %dma_start3A_73] : memref<6x100000xf32, #tpu.memory_space<hbm>> -> memref<1x100000xf32, #tpu.memory_space<hbm>>
    %dma_start3A_75 = tpu.memref_squeeze %dma_start3A_74 : memref<1x100000xf32, #tpu.memory_space<hbm>> -> memref<100000xf32, #tpu.memory_space<hbm>>
    %dma_start3A_76 = arith.constant 0 : i32
    %dma_start3A_77 = tpu.memref_slice %dma_start3A_75[%dma_start3A_76] : memref<100000xf32, #tpu.memory_space<hbm>> -> memref<100000xf32, #tpu.memory_space<hbm>>
    %dma_start3A_78 = tpu.memref_slice %arg8[%dma_start3A_69] : memref<6x!tpu.dma_semaphore, #tpu.memory_space<semaphore_mem>> -> memref<1x!tpu.dma_semaphore, #tpu.memory_space<semaphore_mem>>
    %dma_start3A_79 = tpu.memref_squeeze %dma_start3A_78 : memref<1x!tpu.dma_semaphore, #tpu.memory_space<semaphore_mem>> -> memref<!tpu.dma_semaphore, #tpu.memory_space<semaphore_mem>>
    tpu.enqueue_indirect_dma source(%dma_start3A_77 : memref<100000xf32, #tpu.memory_space<hbm>>) target(%dma_start3A_72 : memref<512xf32, #tpu.memory_space<vmem>>) offsets(%arg5 : memref<512xi32, #tpu.memory_space<vmem>>) semaphore(%dma_start3A_79 : memref<!tpu.dma_semaphore, #tpu.memory_space<semaphore_mem>>)
    %broadcast_in_dim3A = arith.constant 0.000000e+00 : f32
    %broadcast_in_dim3A_80 = vector.broadcast %broadcast_in_dim3A : f32 to vector<16xf32>
    %broadcast_in_dim3A_81 = arith.constant 1.000000e+00 : f32
    %broadcast_in_dim3A_82 = vector.broadcast %broadcast_in_dim3A_81 : f32 to vector<16xf32>
    %dma_wait3A = arith.constant 0 : i32
    %dma_wait3A_83 = arith.constant 0 : i32
    %dma_wait3A_84 = arith.constant 0 : i32
    %dma_wait3A_85 = arith.constant 0 : i32
    %dma_wait3A_86 = tpu.memref_slice %arg6[%dma_wait3A_83, %dma_wait3A_85] : memref<6x512xf32, #tpu.memory_space<vmem>> -> memref<1x512xf32, #tpu.memory_space<vmem>>
    %dma_wait3A_87 = tpu.memref_squeeze %dma_wait3A_86 : memref<1x512xf32, #tpu.memory_space<vmem>> -> memref<512xf32, #tpu.memory_space<vmem>>
    %dma_wait3A_88 = arith.constant 0 : i32
    %dma_wait3A_89 = tpu.memref_slice %arg3[%dma_wait3A, %dma_wait3A_88] : memref<6x100000xf32, #tpu.memory_space<hbm>> -> memref<1x100000xf32, #tpu.memory_space<hbm>>
    %dma_wait3A_90 = tpu.memref_squeeze %dma_wait3A_89 : memref<1x100000xf32, #tpu.memory_space<hbm>> -> memref<100000xf32, #tpu.memory_space<hbm>>
    %dma_wait3A_91 = arith.constant 0 : i32
    %dma_wait3A_92 = tpu.memref_slice %dma_wait3A_90[%dma_wait3A_91] : memref<100000xf32, #tpu.memory_space<hbm>> -> memref<100000xf32, #tpu.memory_space<hbm>>
    %dma_wait3A_93 = tpu.memref_slice %arg8[%dma_wait3A_84] : memref<6x!tpu.dma_semaphore, #tpu.memory_space<semaphore_mem>> -> memref<1x!tpu.dma_semaphore, #tpu.memory_space<semaphore_mem>>
    %dma_wait3A_94 = tpu.memref_squeeze %dma_wait3A_93 : memref<1x!tpu.dma_semaphore, #tpu.memory_space<semaphore_mem>> -> memref<!tpu.dma_semaphore, #tpu.memory_space<semaphore_mem>>
    tpu.wait_indirect_dma semaphore(%dma_wait3A_94 : memref<!tpu.dma_semaphore, #tpu.memory_space<semaphore_mem>>) src(%dma_wait3A_92 : memref<100000xf32, #tpu.memory_space<hbm>>) dst(%dma_wait3A_87 : memref<512xf32, #tpu.memory_space<vmem>>)
    %dma_wait3A_95 = arith.constant 1 : i32
    %dma_wait3A_96 = arith.constant 1 : i32
    %dma_wait3A_97 = arith.constant 1 : i32
    %dma_wait3A_98 = arith.constant 0 : i32
    %dma_wait3A_99 = tpu.memref_slice %arg6[%dma_wait3A_96, %dma_wait3A_98] : memref<6x512xf32, #tpu.memory_space<vmem>> -> memref<1x512xf32, #tpu.memory_space<vmem>>
    %dma_wait3A_100 = tpu.memref_squeeze %dma_wait3A_99 : memref<1x512xf32, #tpu.memory_space<vmem>> -> memref<512xf32, #tpu.memory_space<vmem>>
    %dma_wait3A_101 = arith.constant 0 : i32
    %dma_wait3A_102 = tpu.memref_slice %arg3[%dma_wait3A_95, %dma_wait3A_101] : memref<6x100000xf32, #tpu.memory_space<hbm>> -> memref<1x100000xf32, #tpu.memory_space<hbm>>
    %dma_wait3A_103 = tpu.memref_squeeze %dma_wait3A_102 : memref<1x100000xf32, #tpu.memory_space<hbm>> -> memref<100000xf32, #tpu.memory_space<hbm>>
    %dma_wait3A_104 = arith.constant 0 : i32
    %dma_wait3A_105 = tpu.memref_slice %dma_wait3A_103[%dma_wait3A_104] : memref<100000xf32, #tpu.memory_space<hbm>> -> memref<100000xf32, #tpu.memory_space<hbm>>
    %dma_wait3A_106 = tpu.memref_slice %arg8[%dma_wait3A_97] : memref<6x!tpu.dma_semaphore, #tpu.memory_space<semaphore_mem>> -> memref<1x!tpu.dma_semaphore, #tpu.memory_space<semaphore_mem>>
    %dma_wait3A_107 = tpu.memref_squeeze %dma_wait3A_106 : memref<1x!tpu.dma_semaphore, #tpu.memory_space<semaphore_mem>> -> memref<!tpu.dma_semaphore, #tpu.memory_space<semaphore_mem>>
    tpu.wait_indirect_dma semaphore(%dma_wait3A_107 : memref<!tpu.dma_semaphore, #tpu.memory_space<semaphore_mem>>) src(%dma_wait3A_105 : memref<100000xf32, #tpu.memory_space<hbm>>) dst(%dma_wait3A_100 : memref<512xf32, #tpu.memory_space<vmem>>)
    %dma_wait3A_108 = arith.constant 2 : i32
    %dma_wait3A_109 = arith.constant 2 : i32
    %dma_wait3A_110 = arith.constant 2 : i32
    %dma_wait3A_111 = arith.constant 0 : i32
    %dma_wait3A_112 = tpu.memref_slice %arg6[%dma_wait3A_109, %dma_wait3A_111] : memref<6x512xf32, #tpu.memory_space<vmem>> -> memref<1x512xf32, #tpu.memory_space<vmem>>
    %dma_wait3A_113 = tpu.memref_squeeze %dma_wait3A_112 : memref<1x512xf32, #tpu.memory_space<vmem>> -> memref<512xf32, #tpu.memory_space<vmem>>
    %dma_wait3A_114 = arith.constant 0 : i32
    %dma_wait3A_115 = tpu.memref_slice %arg3[%dma_wait3A_108, %dma_wait3A_114] : memref<6x100000xf32, #tpu.memory_space<hbm>> -> memref<1x100000xf32, #tpu.memory_space<hbm>>
    %dma_wait3A_116 = tpu.memref_squeeze %dma_wait3A_115 : memref<1x100000xf32, #tpu.memory_space<hbm>> -> memref<100000xf32, #tpu.memory_space<hbm>>
    %dma_wait3A_117 = arith.constant 0 : i32
    %dma_wait3A_118 = tpu.memref_slice %dma_wait3A_116[%dma_wait3A_117] : memref<100000xf32, #tpu.memory_space<hbm>> -> memref<100000xf32, #tpu.memory_space<hbm>>
    %dma_wait3A_119 = tpu.memref_slice %arg8[%dma_wait3A_110] : memref<6x!tpu.dma_semaphore, #tpu.memory_space<semaphore_mem>> -> memref<1x!tpu.dma_semaphore, #tpu.memory_space<semaphore_mem>>
    %dma_wait3A_120 = tpu.memref_squeeze %dma_wait3A_119 : memref<1x!tpu.dma_semaphore, #tpu.memory_space<semaphore_mem>> -> memref<!tpu.dma_semaphore, #tpu.memory_space<semaphore_mem>>
    tpu.wait_indirect_dma semaphore(%dma_wait3A_120 : memref<!tpu.dma_semaphore, #tpu.memory_space<semaphore_mem>>) src(%dma_wait3A_118 : memref<100000xf32, #tpu.memory_space<hbm>>) dst(%dma_wait3A_113 : memref<512xf32, #tpu.memory_space<vmem>>)
    %dma_wait3A_121 = arith.constant 3 : i32
    %dma_wait3A_122 = arith.constant 3 : i32
    %dma_wait3A_123 = arith.constant 3 : i32
    %dma_wait3A_124 = arith.constant 0 : i32
    %dma_wait3A_125 = tpu.memref_slice %arg6[%dma_wait3A_122, %dma_wait3A_124] : memref<6x512xf32, #tpu.memory_space<vmem>> -> memref<1x512xf32, #tpu.memory_space<vmem>>
    %dma_wait3A_126 = tpu.memref_squeeze %dma_wait3A_125 : memref<1x512xf32, #tpu.memory_space<vmem>> -> memref<512xf32, #tpu.memory_space<vmem>>
    %dma_wait3A_127 = arith.constant 0 : i32
    %dma_wait3A_128 = tpu.memref_slice %arg3[%dma_wait3A_121, %dma_wait3A_127] : memref<6x100000xf32, #tpu.memory_space<hbm>> -> memref<1x100000xf32, #tpu.memory_space<hbm>>
    %dma_wait3A_129 = tpu.memref_squeeze %dma_wait3A_128 : memref<1x100000xf32, #tpu.memory_space<hbm>> -> memref<100000xf32, #tpu.memory_space<hbm>>
    %dma_wait3A_130 = arith.constant 0 : i32
    %dma_wait3A_131 = tpu.memref_slice %dma_wait3A_129[%dma_wait3A_130] : memref<100000xf32, #tpu.memory_space<hbm>> -> memref<100000xf32, #tpu.memory_space<hbm>>
    %dma_wait3A_132 = tpu.memref_slice %arg8[%dma_wait3A_123] : memref<6x!tpu.dma_semaphore, #tpu.memory_space<semaphore_mem>> -> memref<1x!tpu.dma_semaphore, #tpu.memory_space<semaphore_mem>>
    %dma_wait3A_133 = tpu.memref_squeeze %dma_wait3A_132 : memref<1x!tpu.dma_semaphore, #tpu.memory_space<semaphore_mem>> -> memref<!tpu.dma_semaphore, #tpu.memory_space<semaphore_mem>>
    tpu.wait_indirect_dma semaphore(%dma_wait3A_133 : memref<!tpu.dma_semaphore, #tpu.memory_space<semaphore_mem>>) src(%dma_wait3A_131 : memref<100000xf32, #tpu.memory_space<hbm>>) dst(%dma_wait3A_126 : memref<512xf32, #tpu.memory_space<vmem>>)
    %dma_wait3A_134 = arith.constant 4 : i32
    %dma_wait3A_135 = arith.constant 4 : i32
    %dma_wait3A_136 = arith.constant 4 : i32
    %dma_wait3A_137 = arith.constant 0 : i32
    %dma_wait3A_138 = tpu.memref_slice %arg6[%dma_wait3A_135, %dma_wait3A_137] : memref<6x512xf32, #tpu.memory_space<vmem>> -> memref<1x512xf32, #tpu.memory_space<vmem>>
    %dma_wait3A_139 = tpu.memref_squeeze %dma_wait3A_138 : memref<1x512xf32, #tpu.memory_space<vmem>> -> memref<512xf32, #tpu.memory_space<vmem>>
    %dma_wait3A_140 = arith.constant 0 : i32
    %dma_wait3A_141 = tpu.memref_slice %arg3[%dma_wait3A_134, %dma_wait3A_140] : memref<6x100000xf32, #tpu.memory_space<hbm>> -> memref<1x100000xf32, #tpu.memory_space<hbm>>
    %dma_wait3A_142 = tpu.memref_squeeze %dma_wait3A_141 : memref<1x100000xf32, #tpu.memory_space<hbm>> -> memref<100000xf32, #tpu.memory_space<hbm>>
    %dma_wait3A_143 = arith.constant 0 : i32
    %dma_wait3A_144 = tpu.memref_slice %dma_wait3A_142[%dma_wait3A_143] : memref<100000xf32, #tpu.memory_space<hbm>> -> memref<100000xf32, #tpu.memory_space<hbm>>
    %dma_wait3A_145 = tpu.memref_slice %arg8[%dma_wait3A_136] : memref<6x!tpu.dma_semaphore, #tpu.memory_space<semaphore_mem>> -> memref<1x!tpu.dma_semaphore, #tpu.memory_space<semaphore_mem>>
    %dma_wait3A_146 = tpu.memref_squeeze %dma_wait3A_145 : memref<1x!tpu.dma_semaphore, #tpu.memory_space<semaphore_mem>> -> memref<!tpu.dma_semaphore, #tpu.memory_space<semaphore_mem>>
    tpu.wait_indirect_dma semaphore(%dma_wait3A_146 : memref<!tpu.dma_semaphore, #tpu.memory_space<semaphore_mem>>) src(%dma_wait3A_144 : memref<100000xf32, #tpu.memory_space<hbm>>) dst(%dma_wait3A_139 : memref<512xf32, #tpu.memory_space<vmem>>)
    %dma_wait3A_147 = arith.constant 5 : i32
    %dma_wait3A_148 = arith.constant 5 : i32
    %dma_wait3A_149 = arith.constant 5 : i32
    %dma_wait3A_150 = arith.constant 0 : i32
    %dma_wait3A_151 = tpu.memref_slice %arg6[%dma_wait3A_148, %dma_wait3A_150] : memref<6x512xf32, #tpu.memory_space<vmem>> -> memref<1x512xf32, #tpu.memory_space<vmem>>
    %dma_wait3A_152 = tpu.memref_squeeze %dma_wait3A_151 : memref<1x512xf32, #tpu.memory_space<vmem>> -> memref<512xf32, #tpu.memory_space<vmem>>
    %dma_wait3A_153 = arith.constant 0 : i32
    %dma_wait3A_154 = tpu.memref_slice %arg3[%dma_wait3A_147, %dma_wait3A_153] : memref<6x100000xf32, #tpu.memory_space<hbm>> -> memref<1x100000xf32, #tpu.memory_space<hbm>>
    %dma_wait3A_155 = tpu.memref_squeeze %dma_wait3A_154 : memref<1x100000xf32, #tpu.memory_space<hbm>> -> memref<100000xf32, #tpu.memory_space<hbm>>
    %dma_wait3A_156 = arith.constant 0 : i32
    %dma_wait3A_157 = tpu.memref_slice %dma_wait3A_155[%dma_wait3A_156] : memref<100000xf32, #tpu.memory_space<hbm>> -> memref<100000xf32, #tpu.memory_space<hbm>>
    %dma_wait3A_158 = tpu.memref_slice %arg8[%dma_wait3A_149] : memref<6x!tpu.dma_semaphore, #tpu.memory_space<semaphore_mem>> -> memref<1x!tpu.dma_semaphore, #tpu.memory_space<semaphore_mem>>
    %dma_wait3A_159 = tpu.memref_squeeze %dma_wait3A_158 : memref<1x!tpu.dma_semaphore, #tpu.memory_space<semaphore_mem>> -> memref<!tpu.dma_semaphore, #tpu.memory_space<semaphore_mem>>
    tpu.wait_indirect_dma semaphore(%dma_wait3A_159 : memref<!tpu.dma_semaphore, #tpu.memory_space<semaphore_mem>>) src(%dma_wait3A_157 : memref<100000xf32, #tpu.memory_space<hbm>>) dst(%dma_wait3A_152 : memref<512xf32, #tpu.memory_space<vmem>>)
    %scan3A = arith.constant 0 : i32
    %scan3A_160 = arith.constant 0 : i32
    %scan3A_161 = arith.constant 8 : i32
    %scan3A_162 = arith.addi %scan3A_160, %scan3A_161 : i32
    %scan3A_163 = arith.constant 1 : i32
    %scan3A_164 = scf.for %scan3A_189 = %scan3A_160 to %scan3A_162 step %scan3A_163 iter_args(%scan3A_190 = %scan3A) -> (i32)  : i32 {
      %mul3A_191 = arith.constant 16 : i32
      %mul3A_192 = arith.muli %scan3A_189, %mul3A_191 : i32
      %add3A_193 = arith.constant 0 : i32
      %add3A_194 = arith.addi %add3A_193, %mul3A_192 : i32
      %get3A = arith.constant 0 : i32
      %get3A_195 = arith.index_cast %get3A : i32 to index
      %get3A_196 = arith.index_cast %add3A_194 : i32 to index
      %get3A_197 = tpu.vector_load %arg6[%get3A_195, %get3A_196] {strides = array<i32>} : memref<6x512xf32, #tpu.memory_space<vmem>>, vector<1x16xf32>,
      %get3A_198 = vector.shape_cast %get3A_197 : vector<1x16xf32> to vector<16xf32>
      %get3A_199 = arith.constant 1 : i32
      %get3A_200 = arith.index_cast %get3A_199 : i32 to index
      %get3A_201 = arith.index_cast %add3A_194 : i32 to index
      %get3A_202 = tpu.vector_load %arg6[%get3A_200, %get3A_201] {strides = array<i32>} : memref<6x512xf32, #tpu.memory_space<vmem>>, vector<1x16xf32>,
      %get3A_203 = vector.shape_cast %get3A_202 : vector<1x16xf32> to vector<16xf32>
      %get3A_204 = arith.constant 2 : i32
      %get3A_205 = arith.index_cast %get3A_204 : i32 to index
      %get3A_206 = arith.index_cast %add3A_194 : i32 to index
      %get3A_207 = tpu.vector_load %arg6[%get3A_205, %get3A_206] {strides = array<i32>} : memref<6x512xf32, #tpu.memory_space<vmem>>, vector<1x16xf32>,
      %get3A_208 = vector.shape_cast %get3A_207 : vector<1x16xf32> to vector<16xf32>
      %get3A_209 = arith.constant 3 : i32
      %get3A_210 = arith.index_cast %get3A_209 : i32 to index
      %get3A_211 = arith.index_cast %add3A_194 : i32 to index
      %get3A_212 = tpu.vector_load %arg6[%get3A_210, %get3A_211] {strides = array<i32>} : memref<6x512xf32, #tpu.memory_space<vmem>>, vector<1x16xf32>,
      %get3A_213 = vector.shape_cast %get3A_212 : vector<1x16xf32> to vector<16xf32>
      %get3A_214 = arith.constant 4 : i32
      %get3A_215 = arith.index_cast %get3A_214 : i32 to index
      %get3A_216 = arith.index_cast %add3A_194 : i32 to index
      %get3A_217 = tpu.vector_load %arg6[%get3A_215, %get3A_216] {strides = array<i32>} : memref<6x512xf32, #tpu.memory_space<vmem>>, vector<1x16xf32>,
      %get3A_218 = vector.shape_cast %get3A_217 : vector<1x16xf32> to vector<16xf32>
      %get3A_219 = arith.constant 5 : i32
      %get3A_220 = arith.index_cast %get3A_219 : i32 to index
      %get3A_221 = arith.index_cast %add3A_194 : i32 to index
      %get3A_222 = tpu.vector_load %arg6[%get3A_220, %get3A_221] {strides = array<i32>} : memref<6x512xf32, #tpu.memory_space<vmem>>, vector<1x16xf32>,
      %get3A_223 = vector.shape_cast %get3A_222 : vector<1x16xf32> to vector<16xf32>
      %mul3A_224 = arith.mulf %get3A_198, %get3A_198 : vector<16xf32>
      %mul3A_225 = arith.mulf %get3A_203, %get3A_203 : vector<16xf32>
      %add3A_226 = arith.addf %mul3A_224, %mul3A_225 : vector<16xf32>
      %mul3A_227 = arith.mulf %get3A_208, %get3A_208 : vector<16xf32>
      %add3A_228 = arith.addf %add3A_226, %mul3A_227 : vector<16xf32>
      %broadcast_in_dim3A_229 = arith.constant 2.75573188E-6 : f32
      %broadcast_in_dim3A_230 = vector.broadcast %broadcast_in_dim3A_229 : f32 to vector<16xf32>
      %mul3A_231 = arith.mulf %broadcast_in_dim3A_230, %add3A_228 : vector<16xf32>
      %add3A_232 = arith.constant -1.98412701E-4 : f32
      %add3A_233 = vector.broadcast %add3A_232 : f32 to vector<16xf32>
      %add3A_234 = arith.addf %mul3A_231, %add3A_233 : vector<16xf32>
      %mul3A_235 = arith.mulf %add3A_234, %add3A_228 : vector<16xf32>
      %add3A_236 = arith.constant 0.00833333377 : f32
      %add3A_237 = vector.broadcast %add3A_236 : f32 to vector<16xf32>
      %add3A_238 = arith.addf %mul3A_235, %add3A_237 : vector<16xf32>
      %mul3A_239 = arith.mulf %add3A_238, %add3A_228 : vector<16xf32>
      %add3A_240 = arith.constant -0.166666672 : f32
      %add3A_241 = vector.broadcast %add3A_240 : f32 to vector<16xf32>
      %add3A_242 = arith.addf %mul3A_239, %add3A_241 : vector<16xf32>
      %mul3A_243 = arith.mulf %add3A_242, %add3A_228 : vector<16xf32>
      %add3A_244 = arith.constant 1.000000e+00 : f32
      %add3A_245 = vector.broadcast %add3A_244 : f32 to vector<16xf32>
      %add3A_246 = arith.addf %mul3A_243, %add3A_245 : vector<16xf32>
      %broadcast_in_dim3A_247 = arith.constant 2.755732E-7 : f32
      %broadcast_in_dim3A_248 = vector.broadcast %broadcast_in_dim3A_247 : f32 to vector<16xf32>
      %mul3A_249 = arith.mulf %broadcast_in_dim3A_248, %add3A_228 : vector<16xf32>
      %add3A_250 = arith.constant -2.48015876E-5 : f32
      %add3A_251 = vector.broadcast %add3A_250 : f32 to vector<16xf32>
      %add3A_252 = arith.addf %mul3A_249, %add3A_251 : vector<16xf32>
      %mul3A_253 = arith.mulf %add3A_252, %add3A_228 : vector<16xf32>
      %add3A_254 = arith.constant 0.00138888892 : f32
      %add3A_255 = vector.broadcast %add3A_254 : f32 to vector<16xf32>
      %add3A_256 = arith.addf %mul3A_253, %add3A_255 : vector<16xf32>
      %mul3A_257 = arith.mulf %add3A_256, %add3A_228 : vector<16xf32>
      %add3A_258 = arith.constant -0.0416666679 : f32
      %add3A_259 = vector.broadcast %add3A_258 : f32 to vector<16xf32>
      %add3A_260 = arith.addf %mul3A_257, %add3A_259 : vector<16xf32>
      %mul3A_261 = arith.mulf %add3A_260, %add3A_228 : vector<16xf32>
      %add3A_262 = arith.constant 5.000000e-01 : f32
      %add3A_263 = vector.broadcast %add3A_262 : f32 to vector<16xf32>
      %add3A_264 = arith.addf %mul3A_261, %add3A_263 : vector<16xf32>
      %mul3A_265 = arith.mulf %add3A_246, %get3A_198 : vector<16xf32>
      %mul3A_266 = arith.mulf %add3A_246, %get3A_203 : vector<16xf32>
      %mul3A_267 = arith.mulf %add3A_246, %get3A_208 : vector<16xf32>
      %mul3A_268 = arith.mulf %add3A_264, %get3A_198 : vector<16xf32>
      %mul3A_269 = arith.mulf %add3A_264, %get3A_203 : vector<16xf32>
      %mul3A_270 = arith.mulf %add3A_264, %get3A_208 : vector<16xf32>
      %mul3A_271 = arith.mulf %add3A_264, %add3A_228 : vector<16xf32>
      %sub3A = arith.constant 1.000000e+00 : f32
      %sub3A_272 = vector.broadcast %sub3A : f32 to vector<16xf32>
      %sub3A_273 = arith.subf %sub3A_272, %mul3A_271 : vector<16xf32>
      %mul3A_274 = arith.mulf %mul3A_268, %get3A_198 : vector<16xf32>
      %add3A_275 = arith.addf %sub3A_273, %mul3A_274 : vector<16xf32>
      %mul3A_276 = arith.mulf %mul3A_268, %get3A_203 : vector<16xf32>
      %sub3A_277 = arith.subf %mul3A_276, %mul3A_267 : vector<16xf32>
      %mul3A_278 = arith.mulf %mul3A_268, %get3A_208 : vector<16xf32>
      %add3A_279 = arith.addf %mul3A_278, %mul3A_266 : vector<16xf32>
      %mul3A_280 = arith.mulf %mul3A_269, %get3A_198 : vector<16xf32>
      %add3A_281 = arith.addf %mul3A_280, %mul3A_267 : vector<16xf32>
      %mul3A_282 = arith.mulf %mul3A_269, %get3A_203 : vector<16xf32>
      %add3A_283 = arith.addf %sub3A_273, %mul3A_282 : vector<16xf32>
      %mul3A_284 = arith.mulf %mul3A_269, %get3A_208 : vector<16xf32>
      %sub3A_285 = arith.subf %mul3A_284, %mul3A_265 : vector<16xf32>
      %mul3A_286 = arith.mulf %mul3A_270, %get3A_198 : vector<16xf32>
      %sub3A_287 = arith.subf %mul3A_286, %mul3A_266 : vector<16xf32>
      %mul3A_288 = arith.mulf %mul3A_270, %get3A_203 : vector<16xf32>
      %add3A_289 = arith.addf %mul3A_288, %mul3A_265 : vector<16xf32>
      %mul3A_290 = arith.mulf %mul3A_270, %get3A_208 : vector<16xf32>
      %add3A_291 = arith.addf %sub3A_273, %mul3A_290 : vector<16xf32>
      %mul3A_292 = arith.constant 16 : i32
      %mul3A_293 = arith.muli %scan3A_189, %mul3A_292 : i32
      %swap3A = arith.constant 0 : i32
      %swap3A_294 = arith.constant 0 : i32
      %swap3A_295 = arith.constant 0 : i32
      %swap3A_296 = arith.index_cast %swap3A : i32 to index
      %swap3A_297 = arith.index_cast %swap3A_294 : i32 to index
      %swap3A_298 = arith.index_cast %swap3A_295 : i32 to index
      %swap3A_299 = arith.index_cast %mul3A_293 : i32 to index
      %swap3A_300 = tpu.vector_load %arg7[%swap3A_296, %swap3A_297, %swap3A_298, %swap3A_299] {strides = array<i32>} : memref<4x4x4x128xf32, #tpu.memory_space<vmem>>, vector<1x1x1x16xf32>,
      %swap3A_301 = vector.shape_cast %swap3A_300 : vector<1x1x1x16xf32> to vector<16xf32>
      %swap3A_302 = vector.shape_cast %add3A_275 : vector<16xf32> to vector<1x1x1x16xf32>
      tpu.vector_store %arg7[%swap3A_296, %swap3A_297, %swap3A_298, %swap3A_299], %swap3A_302 {strides = array<i32>} : memref<4x4x4x128xf32, #tpu.memory_space<vmem>>, vector<1x1x1x16xf32>,
      %swap3A_303 = arith.constant 0 : i32
      %swap3A_304 = arith.constant 0 : i32
      %swap3A_305 = arith.constant 1 : i32
      %swap3A_306 = arith.index_cast %swap3A_303 : i32 to index
      %swap3A_307 = arith.index_cast %swap3A_304 : i32 to index
      %swap3A_308 = arith.index_cast %swap3A_305 : i32 to index
      %swap3A_309 = arith.index_cast %mul3A_293 : i32 to index
      %swap3A_310 = tpu.vector_load %arg7[%swap3A_306, %swap3A_307, %swap3A_308, %swap3A_309] {strides = array<i32>} : memref<4x4x4x128xf32, #tpu.memory_space<vmem>>, vector<1x1x1x16xf32>,
      %swap3A_311 = vector.shape_cast %swap3A_310 : vector<1x1x1x16xf32> to vector<16xf32>
      %swap3A_312 = vector.shape_cast %sub3A_277 : vector<16xf32> to vector<1x1x1x16xf32>
      tpu.vector_store %arg7[%swap3A_306, %swap3A_307, %swap3A_308, %swap3A_309], %swap3A_312 {strides = array<i32>} : memref<4x4x4x128xf32, #tpu.memory_space<vmem>>, vector<1x1x1x16xf32>,
      %swap3A_313 = arith.constant 0 : i32
      %swap3A_314 = arith.constant 0 : i32
      %swap3A_315 = arith.constant 2 : i32
      %swap3A_316 = arith.index_cast %swap3A_313 : i32 to index
      %swap3A_317 = arith.index_cast %swap3A_314 : i32 to index
      %swap3A_318 = arith.index_cast %swap3A_315 : i32 to index
      %swap3A_319 = arith.index_cast %mul3A_293 : i32 to index
      %swap3A_320 = tpu.vector_load %arg7[%swap3A_316, %swap3A_317, %swap3A_318, %swap3A_319] {strides = array<i32>} : memref<4x4x4x128xf32, #tpu.memory_space<vmem>>, vector<1x1x1x16xf32>,
      %swap3A_321 = vector.shape_cast %swap3A_320 : vector<1x1x1x16xf32> to vector<16xf32>
      %swap3A_322 = vector.shape_cast %add3A_279 : vector<16xf32> to vector<1x1x1x16xf32>
      tpu.vector_store %arg7[%swap3A_316, %swap3A_317, %swap3A_318, %swap3A_319], %swap3A_322 {strides = array<i32>} : memref<4x4x4x128xf32, #tpu.memory_space<vmem>>, vector<1x1x1x16xf32>,
      %swap3A_323 = arith.constant 0 : i32
      %swap3A_324 = arith.constant 0 : i32
      %swap3A_325 = arith.constant 3 : i32
      %swap3A_326 = arith.index_cast %swap3A_323 : i32 to index
      %swap3A_327 = arith.index_cast %swap3A_324 : i32 to index
      %swap3A_328 = arith.index_cast %swap3A_325 : i32 to index
      %swap3A_329 = arith.index_cast %mul3A_293 : i32 to index
      %swap3A_330 = tpu.vector_load %arg7[%swap3A_326, %swap3A_327, %swap3A_328, %swap3A_329] {strides = array<i32>} : memref<4x4x4x128xf32, #tpu.memory_space<vmem>>, vector<1x1x1x16xf32>,
      %swap3A_331 = vector.shape_cast %swap3A_330 : vector<1x1x1x16xf32> to vector<16xf32>
      %swap3A_332 = vector.shape_cast %get3A_213 : vector<16xf32> to vector<1x1x1x16xf32>
      tpu.vector_store %arg7[%swap3A_326, %swap3A_327, %swap3A_328, %swap3A_329], %swap3A_332 {strides = array<i32>} : memref<4x4x4x128xf32, #tpu.memory_space<vmem>>, vector<1x1x1x16xf32>,
      %swap3A_333 = arith.constant 1 : i32
      %swap3A_334 = arith.constant 0 : i32
      %swap3A_335 = arith.constant 0 : i32
      %swap3A_336 = arith.index_cast %swap3A_333 : i32 to index
      %swap3A_337 = arith.index_cast %swap3A_334 : i32 to index
      %swap3A_338 = arith.index_cast %swap3A_335 : i32 to index
      %swap3A_339 = arith.index_cast %mul3A_293 : i32 to index
      %swap3A_340 = tpu.vector_load %arg7[%swap3A_336, %swap3A_337, %swap3A_338, %swap3A_339] {strides = array<i32>} : memref<4x4x4x128xf32, #tpu.memory_space<vmem>>, vector<1x1x1x16xf32>,
      %swap3A_341 = vector.shape_cast %swap3A_340 : vector<1x1x1x16xf32> to vector<16xf32>
      %swap3A_342 = vector.shape_cast %add3A_281 : vector<16xf32> to vector<1x1x1x16xf32>
      tpu.vector_store %arg7[%swap3A_336, %swap3A_337, %swap3A_338, %swap3A_339], %swap3A_342 {strides = array<i32>} : memref<4x4x4x128xf32, #tpu.memory_space<vmem>>, vector<1x1x1x16xf32>,
      %swap3A_343 = arith.constant 1 : i32
      %swap3A_344 = arith.constant 0 : i32
      %swap3A_345 = arith.constant 1 : i32
      %swap3A_346 = arith.index_cast %swap3A_343 : i32 to index
      %swap3A_347 = arith.index_cast %swap3A_344 : i32 to index
      %swap3A_348 = arith.index_cast %swap3A_345 : i32 to index
      %swap3A_349 = arith.index_cast %mul3A_293 : i32 to index
      %swap3A_350 = tpu.vector_load %arg7[%swap3A_346, %swap3A_347, %swap3A_348, %swap3A_349] {strides = array<i32>} : memref<4x4x4x128xf32, #tpu.memory_space<vmem>>, vector<1x1x1x16xf32>,
      %swap3A_351 = vector.shape_cast %swap3A_350 : vector<1x1x1x16xf32> to vector<16xf32>
      %swap3A_352 = vector.shape_cast %add3A_283 : vector<16xf32> to vector<1x1x1x16xf32>
      tpu.vector_store %arg7[%swap3A_346, %swap3A_347, %swap3A_348, %swap3A_349], %swap3A_352 {strides = array<i32>} : memref<4x4x4x128xf32, #tpu.memory_space<vmem>>, vector<1x1x1x16xf32>,
      %swap3A_353 = arith.constant 1 : i32
      %swap3A_354 = arith.constant 0 : i32
      %swap3A_355 = arith.constant 2 : i32
      %swap3A_356 = arith.index_cast %swap3A_353 : i32 to index
      %swap3A_357 = arith.index_cast %swap3A_354 : i32 to index
      %swap3A_358 = arith.index_cast %swap3A_355 : i32 to index
      %swap3A_359 = arith.index_cast %mul3A_293 : i32 to index
      %swap3A_360 = tpu.vector_load %arg7[%swap3A_356, %swap3A_357, %swap3A_358, %swap3A_359] {strides = array<i32>} : memref<4x4x4x128xf32, #tpu.memory_space<vmem>>, vector<1x1x1x16xf32>,
      %swap3A_361 = vector.shape_cast %swap3A_360 : vector<1x1x1x16xf32> to vector<16xf32>
      %swap3A_362 = vector.shape_cast %sub3A_285 : vector<16xf32> to vector<1x1x1x16xf32>
      tpu.vector_store %arg7[%swap3A_356, %swap3A_357, %swap3A_358, %swap3A_359], %swap3A_362 {strides = array<i32>} : memref<4x4x4x128xf32, #tpu.memory_space<vmem>>, vector<1x1x1x16xf32>,
      %swap3A_363 = arith.constant 1 : i32
      %swap3A_364 = arith.constant 0 : i32
      %swap3A_365 = arith.constant 3 : i32
      %swap3A_366 = arith.index_cast %swap3A_363 : i32 to index
      %swap3A_367 = arith.index_cast %swap3A_364 : i32 to index
      %swap3A_368 = arith.index_cast %swap3A_365 : i32 to index
      %swap3A_369 = arith.index_cast %mul3A_293 : i32 to index
      %swap3A_370 = tpu.vector_load %arg7[%swap3A_366, %swap3A_367, %swap3A_368, %swap3A_369] {strides = array<i32>} : memref<4x4x4x128xf32, #tpu.memory_space<vmem>>, vector<1x1x1x16xf32>,
      %swap3A_371 = vector.shape_cast %swap3A_370 : vector<1x1x1x16xf32> to vector<16xf32>
      %swap3A_372 = vector.shape_cast %get3A_218 : vector<16xf32> to vector<1x1x1x16xf32>
      tpu.vector_store %arg7[%swap3A_366, %swap3A_367, %swap3A_368, %swap3A_369], %swap3A_372 {strides = array<i32>} : memref<4x4x4x128xf32, #tpu.memory_space<vmem>>, vector<1x1x1x16xf32>,
      %swap3A_373 = arith.constant 2 : i32
      %swap3A_374 = arith.constant 0 : i32
      %swap3A_375 = arith.constant 0 : i32
      %swap3A_376 = arith.index_cast %swap3A_373 : i32 to index
      %swap3A_377 = arith.index_cast %swap3A_374 : i32 to index
      %swap3A_378 = arith.index_cast %swap3A_375 : i32 to index
      %swap3A_379 = arith.index_cast %mul3A_293 : i32 to index
      %swap3A_380 = tpu.vector_load %arg7[%swap3A_376, %swap3A_377, %swap3A_378, %swap3A_379] {strides = array<i32>} : memref<4x4x4x128xf32, #tpu.memory_space<vmem>>, vector<1x1x1x16xf32>,
      %swap3A_381 = vector.shape_cast %swap3A_380 : vector<1x1x1x16xf32> to vector<16xf32>
      %swap3A_382 = vector.shape_cast %sub3A_287 : vector<16xf32> to vector<1x1x1x16xf32>
      tpu.vector_store %arg7[%swap3A_376, %swap3A_377, %swap3A_378, %swap3A_379], %swap3A_382 {strides = array<i32>} : memref<4x4x4x128xf32, #tpu.memory_space<vmem>>, vector<1x1x1x16xf32>,
      %swap3A_383 = arith.constant 2 : i32
      %swap3A_384 = arith.constant 0 : i32
      %swap3A_385 = arith.constant 1 : i32
      %swap3A_386 = arith.index_cast %swap3A_383 : i32 to index
      %swap3A_387 = arith.index_cast %swap3A_384 : i32 to index
      %swap3A_388 = arith.index_cast %swap3A_385 : i32 to index
      %swap3A_389 = arith.index_cast %mul3A_293 : i32 to index
      %swap3A_390 = tpu.vector_load %arg7[%swap3A_386, %swap3A_387, %swap3A_388, %swap3A_389] {strides = array<i32>} : memref<4x4x4x128xf32, #tpu.memory_space<vmem>>, vector<1x1x1x16xf32>,
      %swap3A_391 = vector.shape_cast %swap3A_390 : vector<1x1x1x16xf32> to vector<16xf32>
      %swap3A_392 = vector.shape_cast %add3A_289 : vector<16xf32> to vector<1x1x1x16xf32>
      tpu.vector_store %arg7[%swap3A_386, %swap3A_387, %swap3A_388, %swap3A_389], %swap3A_392 {strides = array<i32>} : memref<4x4x4x128xf32, #tpu.memory_space<vmem>>, vector<1x1x1x16xf32>,
      %swap3A_393 = arith.constant 2 : i32
      %swap3A_394 = arith.constant 0 : i32
      %swap3A_395 = arith.constant 2 : i32
      %swap3A_396 = arith.index_cast %swap3A_393 : i32 to index
      %swap3A_397 = arith.index_cast %swap3A_394 : i32 to index
      %swap3A_398 = arith.index_cast %swap3A_395 : i32 to index
      %swap3A_399 = arith.index_cast %mul3A_293 : i32 to index
      %swap3A_400 = tpu.vector_load %arg7[%swap3A_396, %swap3A_397, %swap3A_398, %swap3A_399] {strides = array<i32>} : memref<4x4x4x128xf32, #tpu.memory_space<vmem>>, vector<1x1x1x16xf32>,
      %swap3A_401 = vector.shape_cast %swap3A_400 : vector<1x1x1x16xf32> to vector<16xf32>
      %swap3A_402 = vector.shape_cast %add3A_291 : vector<16xf32> to vector<1x1x1x16xf32>
      tpu.vector_store %arg7[%swap3A_396, %swap3A_397, %swap3A_398, %swap3A_399], %swap3A_402 {strides = array<i32>} : memref<4x4x4x128xf32, #tpu.memory_space<vmem>>, vector<1x1x1x16xf32>,
      %swap3A_403 = arith.constant 2 : i32
      %swap3A_404 = arith.constant 0 : i32
      %swap3A_405 = arith.constant 3 : i32
      %swap3A_406 = arith.index_cast %swap3A_403 : i32 to index
      %swap3A_407 = arith.index_cast %swap3A_404 : i32 to index
      %swap3A_408 = arith.index_cast %swap3A_405 : i32 to index
      %swap3A_409 = arith.index_cast %mul3A_293 : i32 to index
      %swap3A_410 = tpu.vector_load %arg7[%swap3A_406, %swap3A_407, %swap3A_408, %swap3A_409] {strides = array<i32>} : memref<4x4x4x128xf32, #tpu.memory_space<vmem>>, vector<1x1x1x16xf32>,
      %swap3A_411 = vector.shape_cast %swap3A_410 : vector<1x1x1x16xf32> to vector<16xf32>
      %swap3A_412 = vector.shape_cast %get3A_223 : vector<16xf32> to vector<1x1x1x16xf32>
      tpu.vector_store %arg7[%swap3A_406, %swap3A_407, %swap3A_408, %swap3A_409], %swap3A_412 {strides = array<i32>} : memref<4x4x4x128xf32, #tpu.memory_space<vmem>>, vector<1x1x1x16xf32>,
      %swap3A_413 = arith.constant 3 : i32
      %swap3A_414 = arith.constant 0 : i32
      %swap3A_415 = arith.constant 0 : i32
      %swap3A_416 = arith.index_cast %swap3A_413 : i32 to index
      %swap3A_417 = arith.index_cast %swap3A_414 : i32 to index
      %swap3A_418 = arith.index_cast %swap3A_415 : i32 to index
      %swap3A_419 = arith.index_cast %mul3A_293 : i32 to index
      %swap3A_420 = tpu.vector_load %arg7[%swap3A_416, %swap3A_417, %swap3A_418, %swap3A_419] {strides = array<i32>} : memref<4x4x4x128xf32, #tpu.memory_space<vmem>>, vector<1x1x1x16xf32>,
      %swap3A_421 = vector.shape_cast %swap3A_420 : vector<1x1x1x16xf32> to vector<16xf32>
      %swap3A_422 = vector.shape_cast %broadcast_in_dim3A_80 : vector<16xf32> to vector<1x1x1x16xf32>
      tpu.vector_store %arg7[%swap3A_416, %swap3A_417, %swap3A_418, %swap3A_419], %swap3A_422 {strides = array<i32>} : memref<4x4x4x128xf32, #tpu.memory_space<vmem>>, vector<1x1x1x16xf32>,
      %swap3A_423 = arith.constant 3 : i32
      %swap3A_424 = arith.constant 0 : i32
      %swap3A_425 = arith.constant 1 : i32
      %swap3A_426 = arith.index_cast %swap3A_423 : i32 to index
      %swap3A_427 = arith.index_cast %swap3A_424 : i32 to index
      %swap3A_428 = arith.index_cast %swap3A_425 : i32 to index
      %swap3A_429 = arith.index_cast %mul3A_293 : i32 to index
      %swap3A_430 = tpu.vector_load %arg7[%swap3A_426, %swap3A_427, %swap3A_428, %swap3A_429] {strides = array<i32>} : memref<4x4x4x128xf32, #tpu.memory_space<vmem>>, vector<1x1x1x16xf32>,
      %swap3A_431 = vector.shape_cast %swap3A_430 : vector<1x1x1x16xf32> to vector<16xf32>
      %swap3A_432 = vector.shape_cast %broadcast_in_dim3A_80 : vector<16xf32> to vector<1x1x1x16xf32>
      tpu.vector_store %arg7[%swap3A_426, %swap3A_427, %swap3A_428, %swap3A_429], %swap3A_432 {strides = array<i32>} : memref<4x4x4x128xf32, #tpu.memory_space<vmem>>, vector<1x1x1x16xf32>,
      %swap3A_433 = arith.constant 3 : i32
      %swap3A_434 = arith.constant 0 : i32
      %swap3A_435 = arith.constant 2 : i32
      %swap3A_436 = arith.index_cast %swap3A_433 : i32 to index
      %swap3A_437 = arith.index_cast %swap3A_434 : i32 to index
      %swap3A_438 = arith.index_cast %swap3A_435 : i32 to index
      %swap3A_439 = arith.index_cast %mul3A_293 : i32 to index
      %swap3A_440 = tpu.vector_load %arg7[%swap3A_436, %swap3A_437, %swap3A_438, %swap3A_439] {strides = array<i32>} : memref<4x4x4x128xf32, #tpu.memory_space<vmem>>, vector<1x1x1x16xf32>,
      %swap3A_441 = vector.shape_cast %swap3A_440 : vector<1x1x1x16xf32> to vector<16xf32>
      %swap3A_442 = vector.shape_cast %broadcast_in_dim3A_80 : vector<16xf32> to vector<1x1x1x16xf32>
      tpu.vector_store %arg7[%swap3A_436, %swap3A_437, %swap3A_438, %swap3A_439], %swap3A_442 {strides = array<i32>} : memref<4x4x4x128xf32, #tpu.memory_space<vmem>>, vector<1x1x1x16xf32>,
      %swap3A_443 = arith.constant 3 : i32
      %swap3A_444 = arith.constant 0 : i32
      %swap3A_445 = arith.constant 3 : i32
      %swap3A_446 = arith.index_cast %swap3A_443 : i32 to index
      %swap3A_447 = arith.index_cast %swap3A_444 : i32 to index
      %swap3A_448 = arith.index_cast %swap3A_445 : i32 to index
      %swap3A_449 = arith.index_cast %mul3A_293 : i32 to index
      %swap3A_450 = tpu.vector_load %arg7[%swap3A_446, %swap3A_447, %swap3A_448, %swap3A_449] {strides = array<i32>} : memref<4x4x4x128xf32, #tpu.memory_space<vmem>>, vector<1x1x1x16xf32>,
      %swap3A_451 = vector.shape_cast %swap3A_450 : vector<1x1x1x16xf32> to vector<16xf32>
      %swap3A_452 = vector.shape_cast %broadcast_in_dim3A_82 : vector<16xf32> to vector<1x1x1x16xf32>
      tpu.vector_store %arg7[%swap3A_446, %swap3A_447, %swap3A_448, %swap3A_449], %swap3A_452 {strides = array<i32>} : memref<4x4x4x128xf32, #tpu.memory_space<vmem>>, vector<1x1x1x16xf32>,
      %scan3A_453 = arith.constant 0 : i32
      scf.yield %scan3A_453 : i32
    }
    %scan3A_165 = arith.constant 8 : i32
    %scan3A_166 = arith.constant 0 : i32
    %scan3A_167 = arith.constant 0 : i32
    %scan3A_168 = arith.constant 8 : i32
    %scan3A_169 = arith.addi %scan3A_167, %scan3A_168 : i32
    %scan3A_170 = arith.constant 1 : i32
    %scan3A_171 = scf.for %scan3A_189 = %scan3A_167 to %scan3A_169 step %scan3A_170 iter_args(%scan3A_190 = %scan3A_166) -> (i32)  : i32 {
      %mul3A_191 = arith.constant 16 : i32
      %mul3A_192 = arith.muli %scan3A_189, %mul3A_191 : i32
      %add3A_193 = arith.constant 128 : i32
      %add3A_194 = arith.addi %add3A_193, %mul3A_192 : i32
      %get3A = arith.constant 0 : i32
      %get3A_195 = arith.index_cast %get3A : i32 to index
      %get3A_196 = arith.index_cast %add3A_194 : i32 to index
      %get3A_197 = tpu.vector_load %arg6[%get3A_195, %get3A_196] {strides = array<i32>} : memref<6x512xf32, #tpu.memory_space<vmem>>, vector<1x16xf32>,
      %get3A_198 = vector.shape_cast %get3A_197 : vector<1x16xf32> to vector<16xf32>
      %get3A_199 = arith.constant 1 : i32
      %get3A_200 = arith.index_cast %get3A_199 : i32 to index
      %get3A_201 = arith.index_cast %add3A_194 : i32 to index
      %get3A_202 = tpu.vector_load %arg6[%get3A_200, %get3A_201] {strides = array<i32>} : memref<6x512xf32, #tpu.memory_space<vmem>>, vector<1x16xf32>,
      %get3A_203 = vector.shape_cast %get3A_202 : vector<1x16xf32> to vector<16xf32>
      %get3A_204 = arith.constant 2 : i32
      %get3A_205 = arith.index_cast %get3A_204 : i32 to index
      %get3A_206 = arith.index_cast %add3A_194 : i32 to index
      %get3A_207 = tpu.vector_load %arg6[%get3A_205, %get3A_206] {strides = array<i32>} : memref<6x512xf32, #tpu.memory_space<vmem>>, vector<1x16xf32>,
      %get3A_208 = vector.shape_cast %get3A_207 : vector<1x16xf32> to vector<16xf32>
      %get3A_209 = arith.constant 3 : i32
      %get3A_210 = arith.index_cast %get3A_209 : i32 to index
      %get3A_211 = arith.index_cast %add3A_194 : i32 to index
      %get3A_212 = tpu.vector_load %arg6[%get3A_210, %get3A_211] {strides = array<i32>} : memref<6x512xf32, #tpu.memory_space<vmem>>, vector<1x16xf32>,
      %get3A_213 = vector.shape_cast %get3A_212 : vector<1x16xf32> to vector<16xf32>
      %get3A_214 = arith.constant 4 : i32
      %get3A_215 = arith.index_cast %get3A_214 : i32 to index
      %get3A_216 = arith.index_cast %add3A_194 : i32 to index
      %get3A_217 = tpu.vector_load %arg6[%get3A_215, %get3A_216] {strides = array<i32>} : memref<6x512xf32, #tpu.memory_space<vmem>>, vector<1x16xf32>,
      %get3A_218 = vector.shape_cast %get3A_217 : vector<1x16xf32> to vector<16xf32>
      %get3A_219 = arith.constant 5 : i32
      %get3A_220 = arith.index_cast %get3A_219 : i32 to index
      %get3A_221 = arith.index_cast %add3A_194 : i32 to index
      %get3A_222 = tpu.vector_load %arg6[%get3A_220, %get3A_221] {strides = array<i32>} : memref<6x512xf32, #tpu.memory_space<vmem>>, vector<1x16xf32>,
      %get3A_223 = vector.shape_cast %get3A_222 : vector<1x16xf32> to vector<16xf32>
      %mul3A_224 = arith.mulf %get3A_198, %get3A_198 : vector<16xf32>
      %mul3A_225 = arith.mulf %get3A_203, %get3A_203 : vector<16xf32>
      %add3A_226 = arith.addf %mul3A_224, %mul3A_225 : vector<16xf32>
      %mul3A_227 = arith.mulf %get3A_208, %get3A_208 : vector<16xf32>
      %add3A_228 = arith.addf %add3A_226, %mul3A_227 : vector<16xf32>
      %broadcast_in_dim3A_229 = arith.constant 2.75573188E-6 : f32
      %broadcast_in_dim3A_230 = vector.broadcast %broadcast_in_dim3A_229 : f32 to vector<16xf32>
      %mul3A_231 = arith.mulf %broadcast_in_dim3A_230, %add3A_228 : vector<16xf32>
      %add3A_232 = arith.constant -1.98412701E-4 : f32
      %add3A_233 = vector.broadcast %add3A_232 : f32 to vector<16xf32>
      %add3A_234 = arith.addf %mul3A_231, %add3A_233 : vector<16xf32>
      %mul3A_235 = arith.mulf %add3A_234, %add3A_228 : vector<16xf32>
      %add3A_236 = arith.constant 0.00833333377 : f32
      %add3A_237 = vector.broadcast %add3A_236 : f32 to vector<16xf32>
      %add3A_238 = arith.addf %mul3A_235, %add3A_237 : vector<16xf32>
      %mul3A_239 = arith.mulf %add3A_238, %add3A_228 : vector<16xf32>
      %add3A_240 = arith.constant -0.166666672 : f32
      %add3A_241 = vector.broadcast %add3A_240 : f32 to vector<16xf32>
      %add3A_242 = arith.addf %mul3A_239, %add3A_241 : vector<16xf32>
      %mul3A_243 = arith.mulf %add3A_242, %add3A_228 : vector<16xf32>
      %add3A_244 = arith.constant 1.000000e+00 : f32
      %add3A_245 = vector.broadcast %add3A_244 : f32 to vector<16xf32>
      %add3A_246 = arith.addf %mul3A_243, %add3A_245 : vector<16xf32>
      %broadcast_in_dim3A_247 = arith.constant 2.755732E-7 : f32
      %broadcast_in_dim3A_248 = vector.broadcast %broadcast_in_dim3A_247 : f32 to vector<16xf32>
      %mul3A_249 = arith.mulf %broadcast_in_dim3A_248, %add3A_228 : vector<16xf32>
      %add3A_250 = arith.constant -2.48015876E-5 : f32
      %add3A_251 = vector.broadcast %add3A_250 : f32 to vector<16xf32>
      %add3A_252 = arith.addf %mul3A_249, %add3A_251 : vector<16xf32>
      %mul3A_253 = arith.mulf %add3A_252, %add3A_228 : vector<16xf32>
      %add3A_254 = arith.constant 0.00138888892 : f32
      %add3A_255 = vector.broadcast %add3A_254 : f32 to vector<16xf32>
      %add3A_256 = arith.addf %mul3A_253, %add3A_255 : vector<16xf32>
      %mul3A_257 = arith.mulf %add3A_256, %add3A_228 : vector<16xf32>
      %add3A_258 = arith.constant -0.0416666679 : f32
      %add3A_259 = vector.broadcast %add3A_258 : f32 to vector<16xf32>
      %add3A_260 = arith.addf %mul3A_257, %add3A_259 : vector<16xf32>
      %mul3A_261 = arith.mulf %add3A_260, %add3A_228 : vector<16xf32>
      %add3A_262 = arith.constant 5.000000e-01 : f32
      %add3A_263 = vector.broadcast %add3A_262 : f32 to vector<16xf32>
      %add3A_264 = arith.addf %mul3A_261, %add3A_263 : vector<16xf32>
      %mul3A_265 = arith.mulf %add3A_246, %get3A_198 : vector<16xf32>
      %mul3A_266 = arith.mulf %add3A_246, %get3A_203 : vector<16xf32>
      %mul3A_267 = arith.mulf %add3A_246, %get3A_208 : vector<16xf32>
      %mul3A_268 = arith.mulf %add3A_264, %get3A_198 : vector<16xf32>
      %mul3A_269 = arith.mulf %add3A_264, %get3A_203 : vector<16xf32>
      %mul3A_270 = arith.mulf %add3A_264, %get3A_208 : vector<16xf32>
      %mul3A_271 = arith.mulf %add3A_264, %add3A_228 : vector<16xf32>
      %sub3A = arith.constant 1.000000e+00 : f32
      %sub3A_272 = vector.broadcast %sub3A : f32 to vector<16xf32>
      %sub3A_273 = arith.subf %sub3A_272, %mul3A_271 : vector<16xf32>
      %mul3A_274 = arith.mulf %mul3A_268, %get3A_198 : vector<16xf32>
      %add3A_275 = arith.addf %sub3A_273, %mul3A_274 : vector<16xf32>
      %mul3A_276 = arith.mulf %mul3A_268, %get3A_203 : vector<16xf32>
      %sub3A_277 = arith.subf %mul3A_276, %mul3A_267 : vector<16xf32>
      %mul3A_278 = arith.mulf %mul3A_268, %get3A_208 : vector<16xf32>
      %add3A_279 = arith.addf %mul3A_278, %mul3A_266 : vector<16xf32>
      %mul3A_280 = arith.mulf %mul3A_269, %get3A_198 : vector<16xf32>
      %add3A_281 = arith.addf %mul3A_280, %mul3A_267 : vector<16xf32>
      %mul3A_282 = arith.mulf %mul3A_269, %get3A_203 : vector<16xf32>
      %add3A_283 = arith.addf %sub3A_273, %mul3A_282 : vector<16xf32>
      %mul3A_284 = arith.mulf %mul3A_269, %get3A_208 : vector<16xf32>
      %sub3A_285 = arith.subf %mul3A_284, %mul3A_265 : vector<16xf32>
      %mul3A_286 = arith.mulf %mul3A_270, %get3A_198 : vector<16xf32>
      %sub3A_287 = arith.subf %mul3A_286, %mul3A_266 : vector<16xf32>
      %mul3A_288 = arith.mulf %mul3A_270, %get3A_203 : vector<16xf32>
      %add3A_289 = arith.addf %mul3A_288, %mul3A_265 : vector<16xf32>
      %mul3A_290 = arith.mulf %mul3A_270, %get3A_208 : vector<16xf32>
      %add3A_291 = arith.addf %sub3A_273, %mul3A_290 : vector<16xf32>
      %mul3A_292 = arith.constant 16 : i32
      %mul3A_293 = arith.muli %scan3A_189, %mul3A_292 : i32
      %swap3A = arith.constant 0 : i32
      %swap3A_294 = arith.constant 1 : i32
      %swap3A_295 = arith.constant 0 : i32
      %swap3A_296 = arith.index_cast %swap3A : i32 to index
      %swap3A_297 = arith.index_cast %swap3A_294 : i32 to index
      %swap3A_298 = arith.index_cast %swap3A_295 : i32 to index
      %swap3A_299 = arith.index_cast %mul3A_293 : i32 to index
      %swap3A_300 = tpu.vector_load %arg7[%swap3A_296, %swap3A_297, %swap3A_298, %swap3A_299] {strides = array<i32>} : memref<4x4x4x128xf32, #tpu.memory_space<vmem>>, vector<1x1x1x16xf32>,
      %swap3A_301 = vector.shape_cast %swap3A_300 : vector<1x1x1x16xf32> to vector<16xf32>
      %swap3A_302 = vector.shape_cast %add3A_275 : vector<16xf32> to vector<1x1x1x16xf32>
      tpu.vector_store %arg7[%swap3A_296, %swap3A_297, %swap3A_298, %swap3A_299], %swap3A_302 {strides = array<i32>} : memref<4x4x4x128xf32, #tpu.memory_space<vmem>>, vector<1x1x1x16xf32>,
      %swap3A_303 = arith.constant 0 : i32
      %swap3A_304 = arith.constant 1 : i32
      %swap3A_305 = arith.constant 1 : i32
      %swap3A_306 = arith.index_cast %swap3A_303 : i32 to index
      %swap3A_307 = arith.index_cast %swap3A_304 : i32 to index
      %swap3A_308 = arith.index_cast %swap3A_305 : i32 to index
      %swap3A_309 = arith.index_cast %mul3A_293 : i32 to index
      %swap3A_310 = tpu.vector_load %arg7[%swap3A_306, %swap3A_307, %swap3A_308, %swap3A_309] {strides = array<i32>} : memref<4x4x4x128xf32, #tpu.memory_space<vmem>>, vector<1x1x1x16xf32>,
      %swap3A_311 = vector.shape_cast %swap3A_310 : vector<1x1x1x16xf32> to vector<16xf32>
      %swap3A_312 = vector.shape_cast %sub3A_277 : vector<16xf32> to vector<1x1x1x16xf32>
      tpu.vector_store %arg7[%swap3A_306, %swap3A_307, %swap3A_308, %swap3A_309], %swap3A_312 {strides = array<i32>} : memref<4x4x4x128xf32, #tpu.memory_space<vmem>>, vector<1x1x1x16xf32>,
      %swap3A_313 = arith.constant 0 : i32
      %swap3A_314 = arith.constant 1 : i32
      %swap3A_315 = arith.constant 2 : i32
      %swap3A_316 = arith.index_cast %swap3A_313 : i32 to index
      %swap3A_317 = arith.index_cast %swap3A_314 : i32 to index
      %swap3A_318 = arith.index_cast %swap3A_315 : i32 to index
      %swap3A_319 = arith.index_cast %mul3A_293 : i32 to index
      %swap3A_320 = tpu.vector_load %arg7[%swap3A_316, %swap3A_317, %swap3A_318, %swap3A_319] {strides = array<i32>} : memref<4x4x4x128xf32, #tpu.memory_space<vmem>>, vector<1x1x1x16xf32>,
      %swap3A_321 = vector.shape_cast %swap3A_320 : vector<1x1x1x16xf32> to vector<16xf32>
      %swap3A_322 = vector.shape_cast %add3A_279 : vector<16xf32> to vector<1x1x1x16xf32>
      tpu.vector_store %arg7[%swap3A_316, %swap3A_317, %swap3A_318, %swap3A_319], %swap3A_322 {strides = array<i32>} : memref<4x4x4x128xf32, #tpu.memory_space<vmem>>, vector<1x1x1x16xf32>,
      %swap3A_323 = arith.constant 0 : i32
      %swap3A_324 = arith.constant 1 : i32
      %swap3A_325 = arith.constant 3 : i32
      %swap3A_326 = arith.index_cast %swap3A_323 : i32 to index
      %swap3A_327 = arith.index_cast %swap3A_324 : i32 to index
      %swap3A_328 = arith.index_cast %swap3A_325 : i32 to index
      %swap3A_329 = arith.index_cast %mul3A_293 : i32 to index
      %swap3A_330 = tpu.vector_load %arg7[%swap3A_326, %swap3A_327, %swap3A_328, %swap3A_329] {strides = array<i32>} : memref<4x4x4x128xf32, #tpu.memory_space<vmem>>, vector<1x1x1x16xf32>,
      %swap3A_331 = vector.shape_cast %swap3A_330 : vector<1x1x1x16xf32> to vector<16xf32>
      %swap3A_332 = vector.shape_cast %get3A_213 : vector<16xf32> to vector<1x1x1x16xf32>
      tpu.vector_store %arg7[%swap3A_326, %swap3A_327, %swap3A_328, %swap3A_329], %swap3A_332 {strides = array<i32>} : memref<4x4x4x128xf32, #tpu.memory_space<vmem>>, vector<1x1x1x16xf32>,
      %swap3A_333 = arith.constant 1 : i32
      %swap3A_334 = arith.constant 1 : i32
      %swap3A_335 = arith.constant 0 : i32
      %swap3A_336 = arith.index_cast %swap3A_333 : i32 to index
      %swap3A_337 = arith.index_cast %swap3A_334 : i32 to index
      %swap3A_338 = arith.index_cast %swap3A_335 : i32 to index
      %swap3A_339 = arith.index_cast %mul3A_293 : i32 to index
      %swap3A_340 = tpu.vector_load %arg7[%swap3A_336, %swap3A_337, %swap3A_338, %swap3A_339] {strides = array<i32>} : memref<4x4x4x128xf32, #tpu.memory_space<vmem>>, vector<1x1x1x16xf32>,
      %swap3A_341 = vector.shape_cast %swap3A_340 : vector<1x1x1x16xf32> to vector<16xf32>
      %swap3A_342 = vector.shape_cast %add3A_281 : vector<16xf32> to vector<1x1x1x16xf32>
      tpu.vector_store %arg7[%swap3A_336, %swap3A_337, %swap3A_338, %swap3A_339], %swap3A_342 {strides = array<i32>} : memref<4x4x4x128xf32, #tpu.memory_space<vmem>>, vector<1x1x1x16xf32>,
      %swap3A_343 = arith.constant 1 : i32
      %swap3A_344 = arith.constant 1 : i32
      %swap3A_345 = arith.constant 1 : i32
      %swap3A_346 = arith.index_cast %swap3A_343 : i32 to index
      %swap3A_347 = arith.index_cast %swap3A_344 : i32 to index
      %swap3A_348 = arith.index_cast %swap3A_345 : i32 to index
      %swap3A_349 = arith.index_cast %mul3A_293 : i32 to index
      %swap3A_350 = tpu.vector_load %arg7[%swap3A_346, %swap3A_347, %swap3A_348, %swap3A_349] {strides = array<i32>} : memref<4x4x4x128xf32, #tpu.memory_space<vmem>>, vector<1x1x1x16xf32>,
      %swap3A_351 = vector.shape_cast %swap3A_350 : vector<1x1x1x16xf32> to vector<16xf32>
      %swap3A_352 = vector.shape_cast %add3A_283 : vector<16xf32> to vector<1x1x1x16xf32>
      tpu.vector_store %arg7[%swap3A_346, %swap3A_347, %swap3A_348, %swap3A_349], %swap3A_352 {strides = array<i32>} : memref<4x4x4x128xf32, #tpu.memory_space<vmem>>, vector<1x1x1x16xf32>,
      %swap3A_353 = arith.constant 1 : i32
      %swap3A_354 = arith.constant 1 : i32
      %swap3A_355 = arith.constant 2 : i32
      %swap3A_356 = arith.index_cast %swap3A_353 : i32 to index
      %swap3A_357 = arith.index_cast %swap3A_354 : i32 to index
      %swap3A_358 = arith.index_cast %swap3A_355 : i32 to index
      %swap3A_359 = arith.index_cast %mul3A_293 : i32 to index
      %swap3A_360 = tpu.vector_load %arg7[%swap3A_356, %swap3A_357, %swap3A_358, %swap3A_359] {strides = array<i32>} : memref<4x4x4x128xf32, #tpu.memory_space<vmem>>, vector<1x1x1x16xf32>,
      %swap3A_361 = vector.shape_cast %swap3A_360 : vector<1x1x1x16xf32> to vector<16xf32>
      %swap3A_362 = vector.shape_cast %sub3A_285 : vector<16xf32> to vector<1x1x1x16xf32>
      tpu.vector_store %arg7[%swap3A_356, %swap3A_357, %swap3A_358, %swap3A_359], %swap3A_362 {strides = array<i32>} : memref<4x4x4x128xf32, #tpu.memory_space<vmem>>, vector<1x1x1x16xf32>,
      %swap3A_363 = arith.constant 1 : i32
      %swap3A_364 = arith.constant 1 : i32
      %swap3A_365 = arith.constant 3 : i32
      %swap3A_366 = arith.index_cast %swap3A_363 : i32 to index
      %swap3A_367 = arith.index_cast %swap3A_364 : i32 to index
      %swap3A_368 = arith.index_cast %swap3A_365 : i32 to index
      %swap3A_369 = arith.index_cast %mul3A_293 : i32 to index
      %swap3A_370 = tpu.vector_load %arg7[%swap3A_366, %swap3A_367, %swap3A_368, %swap3A_369] {strides = array<i32>} : memref<4x4x4x128xf32, #tpu.memory_space<vmem>>, vector<1x1x1x16xf32>,
      %swap3A_371 = vector.shape_cast %swap3A_370 : vector<1x1x1x16xf32> to vector<16xf32>
      %swap3A_372 = vector.shape_cast %get3A_218 : vector<16xf32> to vector<1x1x1x16xf32>
      tpu.vector_store %arg7[%swap3A_366, %swap3A_367, %swap3A_368, %swap3A_369], %swap3A_372 {strides = array<i32>} : memref<4x4x4x128xf32, #tpu.memory_space<vmem>>, vector<1x1x1x16xf32>,
      %swap3A_373 = arith.constant 2 : i32
      %swap3A_374 = arith.constant 1 : i32
      %swap3A_375 = arith.constant 0 : i32
      %swap3A_376 = arith.index_cast %swap3A_373 : i32 to index
      %swap3A_377 = arith.index_cast %swap3A_374 : i32 to index
      %swap3A_378 = arith.index_cast %swap3A_375 : i32 to index
      %swap3A_379 = arith.index_cast %mul3A_293 : i32 to index
      %swap3A_380 = tpu.vector_load %arg7[%swap3A_376, %swap3A_377, %swap3A_378, %swap3A_379] {strides = array<i32>} : memref<4x4x4x128xf32, #tpu.memory_space<vmem>>, vector<1x1x1x16xf32>,
      %swap3A_381 = vector.shape_cast %swap3A_380 : vector<1x1x1x16xf32> to vector<16xf32>
      %swap3A_382 = vector.shape_cast %sub3A_287 : vector<16xf32> to vector<1x1x1x16xf32>
      tpu.vector_store %arg7[%swap3A_376, %swap3A_377, %swap3A_378, %swap3A_379], %swap3A_382 {strides = array<i32>} : memref<4x4x4x128xf32, #tpu.memory_space<vmem>>, vector<1x1x1x16xf32>,
      %swap3A_383 = arith.constant 2 : i32
      %swap3A_384 = arith.constant 1 : i32
      %swap3A_385 = arith.constant 1 : i32
      %swap3A_386 = arith.index_cast %swap3A_383 : i32 to index
      %swap3A_387 = arith.index_cast %swap3A_384 : i32 to index
      %swap3A_388 = arith.index_cast %swap3A_385 : i32 to index
      %swap3A_389 = arith.index_cast %mul3A_293 : i32 to index
      %swap3A_390 = tpu.vector_load %arg7[%swap3A_386, %swap3A_387, %swap3A_388, %swap3A_389] {strides = array<i32>} : memref<4x4x4x128xf32, #tpu.memory_space<vmem>>, vector<1x1x1x16xf32>,
      %swap3A_391 = vector.shape_cast %swap3A_390 : vector<1x1x1x16xf32> to vector<16xf32>
      %swap3A_392 = vector.shape_cast %add3A_289 : vector<16xf32> to vector<1x1x1x16xf32>
      tpu.vector_store %arg7[%swap3A_386, %swap3A_387, %swap3A_388, %swap3A_389], %swap3A_392 {strides = array<i32>} : memref<4x4x4x128xf32, #tpu.memory_space<vmem>>, vector<1x1x1x16xf32>,
      %swap3A_393 = arith.constant 2 : i32
      %swap3A_394 = arith.constant 1 : i32
      %swap3A_395 = arith.constant 2 : i32
      %swap3A_396 = arith.index_cast %swap3A_393 : i32 to index
      %swap3A_397 = arith.index_cast %swap3A_394 : i32 to index
      %swap3A_398 = arith.index_cast %swap3A_395 : i32 to index
      %swap3A_399 = arith.index_cast %mul3A_293 : i32 to index
      %swap3A_400 = tpu.vector_load %arg7[%swap3A_396, %swap3A_397, %swap3A_398, %swap3A_399] {strides = array<i32>} : memref<4x4x4x128xf32, #tpu.memory_space<vmem>>, vector<1x1x1x16xf32>,
      %swap3A_401 = vector.shape_cast %swap3A_400 : vector<1x1x1x16xf32> to vector<16xf32>
      %swap3A_402 = vector.shape_cast %add3A_291 : vector<16xf32> to vector<1x1x1x16xf32>
      tpu.vector_store %arg7[%swap3A_396, %swap3A_397, %swap3A_398, %swap3A_399], %swap3A_402 {strides = array<i32>} : memref<4x4x4x128xf32, #tpu.memory_space<vmem>>, vector<1x1x1x16xf32>,
      %swap3A_403 = arith.constant 2 : i32
      %swap3A_404 = arith.constant 1 : i32
      %swap3A_405 = arith.constant 3 : i32
      %swap3A_406 = arith.index_cast %swap3A_403 : i32 to index
      %swap3A_407 = arith.index_cast %swap3A_404 : i32 to index
      %swap3A_408 = arith.index_cast %swap3A_405 : i32 to index
      %swap3A_409 = arith.index_cast %mul3A_293 : i32 to index
      %swap3A_410 = tpu.vector_load %arg7[%swap3A_406, %swap3A_407, %swap3A_408, %swap3A_409] {strides = array<i32>} : memref<4x4x4x128xf32, #tpu.memory_space<vmem>>, vector<1x1x1x16xf32>,
      %swap3A_411 = vector.shape_cast %swap3A_410 : vector<1x1x1x16xf32> to vector<16xf32>
      %swap3A_412 = vector.shape_cast %get3A_223 : vector<16xf32> to vector<1x1x1x16xf32>
      tpu.vector_store %arg7[%swap3A_406, %swap3A_407, %swap3A_408, %swap3A_409], %swap3A_412 {strides = array<i32>} : memref<4x4x4x128xf32, #tpu.memory_space<vmem>>, vector<1x1x1x16xf32>,
      %swap3A_413 = arith.constant 3 : i32
      %swap3A_414 = arith.constant 1 : i32
      %swap3A_415 = arith.constant 0 : i32
      %swap3A_416 = arith.index_cast %swap3A_413 : i32 to index
      %swap3A_417 = arith.index_cast %swap3A_414 : i32 to index
      %swap3A_418 = arith.index_cast %swap3A_415 : i32 to index
      %swap3A_419 = arith.index_cast %mul3A_293 : i32 to index
      %swap3A_420 = tpu.vector_load %arg7[%swap3A_416, %swap3A_417, %swap3A_418, %swap3A_419] {strides = array<i32>} : memref<4x4x4x128xf32, #tpu.memory_space<vmem>>, vector<1x1x1x16xf32>,
      %swap3A_421 = vector.shape_cast %swap3A_420 : vector<1x1x1x16xf32> to vector<16xf32>
      %swap3A_422 = vector.shape_cast %broadcast_in_dim3A_80 : vector<16xf32> to vector<1x1x1x16xf32>
      tpu.vector_store %arg7[%swap3A_416, %swap3A_417, %swap3A_418, %swap3A_419], %swap3A_422 {strides = array<i32>} : memref<4x4x4x128xf32, #tpu.memory_space<vmem>>, vector<1x1x1x16xf32>,
      %swap3A_423 = arith.constant 3 : i32
      %swap3A_424 = arith.constant 1 : i32
      %swap3A_425 = arith.constant 1 : i32
      %swap3A_426 = arith.index_cast %swap3A_423 : i32 to index
      %swap3A_427 = arith.index_cast %swap3A_424 : i32 to index
      %swap3A_428 = arith.index_cast %swap3A_425 : i32 to index
      %swap3A_429 = arith.index_cast %mul3A_293 : i32 to index
      %swap3A_430 = tpu.vector_load %arg7[%swap3A_426, %swap3A_427, %swap3A_428, %swap3A_429] {strides = array<i32>} : memref<4x4x4x128xf32, #tpu.memory_space<vmem>>, vector<1x1x1x16xf32>,
      %swap3A_431 = vector.shape_cast %swap3A_430 : vector<1x1x1x16xf32> to vector<16xf32>
      %swap3A_432 = vector.shape_cast %broadcast_in_dim3A_80 : vector<16xf32> to vector<1x1x1x16xf32>
      tpu.vector_store %arg7[%swap3A_426, %swap3A_427, %swap3A_428, %swap3A_429], %swap3A_432 {strides = array<i32>} : memref<4x4x4x128xf32, #tpu.memory_space<vmem>>, vector<1x1x1x16xf32>,
      %swap3A_433 = arith.constant 3 : i32
      %swap3A_434 = arith.constant 1 : i32
      %swap3A_435 = arith.constant 2 : i32
      %swap3A_436 = arith.index_cast %swap3A_433 : i32 to index
      %swap3A_437 = arith.index_cast %swap3A_434 : i32 to index
      %swap3A_438 = arith.index_cast %swap3A_435 : i32 to index
      %swap3A_439 = arith.index_cast %mul3A_293 : i32 to index
      %swap3A_440 = tpu.vector_load %arg7[%swap3A_436, %swap3A_437, %swap3A_438, %swap3A_439] {strides = array<i32>} : memref<4x4x4x128xf32, #tpu.memory_space<vmem>>, vector<1x1x1x16xf32>,
      %swap3A_441 = vector.shape_cast %swap3A_440 : vector<1x1x1x16xf32> to vector<16xf32>
      %swap3A_442 = vector.shape_cast %broadcast_in_dim3A_80 : vector<16xf32> to vector<1x1x1x16xf32>
      tpu.vector_store %arg7[%swap3A_436, %swap3A_437, %swap3A_438, %swap3A_439], %swap3A_442 {strides = array<i32>} : memref<4x4x4x128xf32, #tpu.memory_space<vmem>>, vector<1x1x1x16xf32>,
      %swap3A_443 = arith.constant 3 : i32
      %swap3A_444 = arith.constant 1 : i32
      %swap3A_445 = arith.constant 3 : i32
      %swap3A_446 = arith.index_cast %swap3A_443 : i32 to index
      %swap3A_447 = arith.index_cast %swap3A_444 : i32 to index
      %swap3A_448 = arith.index_cast %swap3A_445 : i32 to index
      %swap3A_449 = arith.index_cast %mul3A_293 : i32 to index
      %swap3A_450 = tpu.vector_load %arg7[%swap3A_446, %swap3A_447, %swap3A_448, %swap3A_449] {strides = array<i32>} : memref<4x4x4x128xf32, #tpu.memory_space<vmem>>, vector<1x1x1x16xf32>,
      %swap3A_451 = vector.shape_cast %swap3A_450 : vector<1x1x1x16xf32> to vector<16xf32>
      %swap3A_452 = vector.shape_cast %broadcast_in_dim3A_82 : vector<16xf32> to vector<1x1x1x16xf32>
      tpu.vector_store %arg7[%swap3A_446, %swap3A_447, %swap3A_448, %swap3A_449], %swap3A_452 {strides = array<i32>} : memref<4x4x4x128xf32, #tpu.memory_space<vmem>>, vector<1x1x1x16xf32>,
      %scan3A_453 = arith.constant 0 : i32
      scf.yield %scan3A_453 : i32
    }
    %scan3A_172 = arith.constant 8 : i32
    %scan3A_173 = arith.constant 0 : i32
    %scan3A_174 = arith.constant 0 : i32
    %scan3A_175 = arith.constant 8 : i32
    %scan3A_176 = arith.addi %scan3A_174, %scan3A_175 : i32
    %scan3A_177 = arith.constant 1 : i32
    %scan3A_178 = scf.for %scan3A_189 = %scan3A_174 to %scan3A_176 step %scan3A_177 iter_args(%scan3A_190 = %scan3A_173) -> (i32)  : i32 {
      %mul3A_191 = arith.constant 16 : i32
      %mul3A_192 = arith.muli %scan3A_189, %mul3A_191 : i32
      %add3A_193 = arith.constant 256 : i32
      %add3A_194 = arith.addi %add3A_193, %mul3A_192 : i32
      %get3A = arith.constant 0 : i32
      %get3A_195 = arith.index_cast %get3A : i32 to index
      %get3A_196 = arith.index_cast %add3A_194 : i32 to index
      %get3A_197 = tpu.vector_load %arg6[%get3A_195, %get3A_196] {strides = array<i32>} : memref<6x512xf32, #tpu.memory_space<vmem>>, vector<1x16xf32>,
      %get3A_198 = vector.shape_cast %get3A_197 : vector<1x16xf32> to vector<16xf32>
      %get3A_199 = arith.constant 1 : i32
      %get3A_200 = arith.index_cast %get3A_199 : i32 to index
      %get3A_201 = arith.index_cast %add3A_194 : i32 to index
      %get3A_202 = tpu.vector_load %arg6[%get3A_200, %get3A_201] {strides = array<i32>} : memref<6x512xf32, #tpu.memory_space<vmem>>, vector<1x16xf32>,
      %get3A_203 = vector.shape_cast %get3A_202 : vector<1x16xf32> to vector<16xf32>
      %get3A_204 = arith.constant 2 : i32
      %get3A_205 = arith.index_cast %get3A_204 : i32 to index
      %get3A_206 = arith.index_cast %add3A_194 : i32 to index
      %get3A_207 = tpu.vector_load %arg6[%get3A_205, %get3A_206] {strides = array<i32>} : memref<6x512xf32, #tpu.memory_space<vmem>>, vector<1x16xf32>,
      %get3A_208 = vector.shape_cast %get3A_207 : vector<1x16xf32> to vector<16xf32>
      %get3A_209 = arith.constant 3 : i32
      %get3A_210 = arith.index_cast %get3A_209 : i32 to index
      %get3A_211 = arith.index_cast %add3A_194 : i32 to index
      %get3A_212 = tpu.vector_load %arg6[%get3A_210, %get3A_211] {strides = array<i32>} : memref<6x512xf32, #tpu.memory_space<vmem>>, vector<1x16xf32>,
      %get3A_213 = vector.shape_cast %get3A_212 : vector<1x16xf32> to vector<16xf32>
      %get3A_214 = arith.constant 4 : i32
      %get3A_215 = arith.index_cast %get3A_214 : i32 to index
      %get3A_216 = arith.index_cast %add3A_194 : i32 to index
      %get3A_217 = tpu.vector_load %arg6[%get3A_215, %get3A_216] {strides = array<i32>} : memref<6x512xf32, #tpu.memory_space<vmem>>, vector<1x16xf32>,
      %get3A_218 = vector.shape_cast %get3A_217 : vector<1x16xf32> to vector<16xf32>
      %get3A_219 = arith.constant 5 : i32
      %get3A_220 = arith.index_cast %get3A_219 : i32 to index
      %get3A_221 = arith.index_cast %add3A_194 : i32 to index
      %get3A_222 = tpu.vector_load %arg6[%get3A_220, %get3A_221] {strides = array<i32>} : memref<6x512xf32, #tpu.memory_space<vmem>>, vector<1x16xf32>,
      %get3A_223 = vector.shape_cast %get3A_222 : vector<1x16xf32> to vector<16xf32>
      %mul3A_224 = arith.mulf %get3A_198, %get3A_198 : vector<16xf32>
      %mul3A_225 = arith.mulf %get3A_203, %get3A_203 : vector<16xf32>
      %add3A_226 = arith.addf %mul3A_224, %mul3A_225 : vector<16xf32>
      %mul3A_227 = arith.mulf %get3A_208, %get3A_208 : vector<16xf32>
      %add3A_228 = arith.addf %add3A_226, %mul3A_227 : vector<16xf32>
      %broadcast_in_dim3A_229 = arith.constant 2.75573188E-6 : f32
      %broadcast_in_dim3A_230 = vector.broadcast %broadcast_in_dim3A_229 : f32 to vector<16xf32>
      %mul3A_231 = arith.mulf %broadcast_in_dim3A_230, %add3A_228 : vector<16xf32>
      %add3A_232 = arith.constant -1.98412701E-4 : f32
      %add3A_233 = vector.broadcast %add3A_232 : f32 to vector<16xf32>
      %add3A_234 = arith.addf %mul3A_231, %add3A_233 : vector<16xf32>
      %mul3A_235 = arith.mulf %add3A_234, %add3A_228 : vector<16xf32>
      %add3A_236 = arith.constant 0.00833333377 : f32
      %add3A_237 = vector.broadcast %add3A_236 : f32 to vector<16xf32>
      %add3A_238 = arith.addf %mul3A_235, %add3A_237 : vector<16xf32>
      %mul3A_239 = arith.mulf %add3A_238, %add3A_228 : vector<16xf32>
      %add3A_240 = arith.constant -0.166666672 : f32
      %add3A_241 = vector.broadcast %add3A_240 : f32 to vector<16xf32>
      %add3A_242 = arith.addf %mul3A_239, %add3A_241 : vector<16xf32>
      %mul3A_243 = arith.mulf %add3A_242, %add3A_228 : vector<16xf32>
      %add3A_244 = arith.constant 1.000000e+00 : f32
      %add3A_245 = vector.broadcast %add3A_244 : f32 to vector<16xf32>
      %add3A_246 = arith.addf %mul3A_243, %add3A_245 : vector<16xf32>
      %broadcast_in_dim3A_247 = arith.constant 2.755732E-7 : f32
      %broadcast_in_dim3A_248 = vector.broadcast %broadcast_in_dim3A_247 : f32 to vector<16xf32>
      %mul3A_249 = arith.mulf %broadcast_in_dim3A_248, %add3A_228 : vector<16xf32>
      %add3A_250 = arith.constant -2.48015876E-5 : f32
      %add3A_251 = vector.broadcast %add3A_250 : f32 to vector<16xf32>
      %add3A_252 = arith.addf %mul3A_249, %add3A_251 : vector<16xf32>
      %mul3A_253 = arith.mulf %add3A_252, %add3A_228 : vector<16xf32>
      %add3A_254 = arith.constant 0.00138888892 : f32
      %add3A_255 = vector.broadcast %add3A_254 : f32 to vector<16xf32>
      %add3A_256 = arith.addf %mul3A_253, %add3A_255 : vector<16xf32>
      %mul3A_257 = arith.mulf %add3A_256, %add3A_228 : vector<16xf32>
      %add3A_258 = arith.constant -0.0416666679 : f32
      %add3A_259 = vector.broadcast %add3A_258 : f32 to vector<16xf32>
      %add3A_260 = arith.addf %mul3A_257, %add3A_259 : vector<16xf32>
      %mul3A_261 = arith.mulf %add3A_260, %add3A_228 : vector<16xf32>
      %add3A_262 = arith.constant 5.000000e-01 : f32
      %add3A_263 = vector.broadcast %add3A_262 : f32 to vector<16xf32>
      %add3A_264 = arith.addf %mul3A_261, %add3A_263 : vector<16xf32>
      %mul3A_265 = arith.mulf %add3A_246, %get3A_198 : vector<16xf32>
      %mul3A_266 = arith.mulf %add3A_246, %get3A_203 : vector<16xf32>
      %mul3A_267 = arith.mulf %add3A_246, %get3A_208 : vector<16xf32>
      %mul3A_268 = arith.mulf %add3A_264, %get3A_198 : vector<16xf32>
      %mul3A_269 = arith.mulf %add3A_264, %get3A_203 : vector<16xf32>
      %mul3A_270 = arith.mulf %add3A_264, %get3A_208 : vector<16xf32>
      %mul3A_271 = arith.mulf %add3A_264, %add3A_228 : vector<16xf32>
      %sub3A = arith.constant 1.000000e+00 : f32
      %sub3A_272 = vector.broadcast %sub3A : f32 to vector<16xf32>
      %sub3A_273 = arith.subf %sub3A_272, %mul3A_271 : vector<16xf32>
      %mul3A_274 = arith.mulf %mul3A_268, %get3A_198 : vector<16xf32>
      %add3A_275 = arith.addf %sub3A_273, %mul3A_274 : vector<16xf32>
      %mul3A_276 = arith.mulf %mul3A_268, %get3A_203 : vector<16xf32>
      %sub3A_277 = arith.subf %mul3A_276, %mul3A_267 : vector<16xf32>
      %mul3A_278 = arith.mulf %mul3A_268, %get3A_208 : vector<16xf32>
      %add3A_279 = arith.addf %mul3A_278, %mul3A_266 : vector<16xf32>
      %mul3A_280 = arith.mulf %mul3A_269, %get3A_198 : vector<16xf32>
      %add3A_281 = arith.addf %mul3A_280, %mul3A_267 : vector<16xf32>
      %mul3A_282 = arith.mulf %mul3A_269, %get3A_203 : vector<16xf32>
      %add3A_283 = arith.addf %sub3A_273, %mul3A_282 : vector<16xf32>
      %mul3A_284 = arith.mulf %mul3A_269, %get3A_208 : vector<16xf32>
      %sub3A_285 = arith.subf %mul3A_284, %mul3A_265 : vector<16xf32>
      %mul3A_286 = arith.mulf %mul3A_270, %get3A_198 : vector<16xf32>
      %sub3A_287 = arith.subf %mul3A_286, %mul3A_266 : vector<16xf32>
      %mul3A_288 = arith.mulf %mul3A_270, %get3A_203 : vector<16xf32>
      %add3A_289 = arith.addf %mul3A_288, %mul3A_265 : vector<16xf32>
      %mul3A_290 = arith.mulf %mul3A_270, %get3A_208 : vector<16xf32>
      %add3A_291 = arith.addf %sub3A_273, %mul3A_290 : vector<16xf32>
      %mul3A_292 = arith.constant 16 : i32
      %mul3A_293 = arith.muli %scan3A_189, %mul3A_292 : i32
      %swap3A = arith.constant 0 : i32
      %swap3A_294 = arith.constant 2 : i32
      %swap3A_295 = arith.constant 0 : i32
      %swap3A_296 = arith.index_cast %swap3A : i32 to index
      %swap3A_297 = arith.index_cast %swap3A_294 : i32 to index
      %swap3A_298 = arith.index_cast %swap3A_295 : i32 to index
      %swap3A_299 = arith.index_cast %mul3A_293 : i32 to index
      %swap3A_300 = tpu.vector_load %arg7[%swap3A_296, %swap3A_297, %swap3A_298, %swap3A_299] {strides = array<i32>} : memref<4x4x4x128xf32, #tpu.memory_space<vmem>>, vector<1x1x1x16xf32>,
      %swap3A_301 = vector.shape_cast %swap3A_300 : vector<1x1x1x16xf32> to vector<16xf32>
      %swap3A_302 = vector.shape_cast %add3A_275 : vector<16xf32> to vector<1x1x1x16xf32>
      tpu.vector_store %arg7[%swap3A_296, %swap3A_297, %swap3A_298, %swap3A_299], %swap3A_302 {strides = array<i32>} : memref<4x4x4x128xf32, #tpu.memory_space<vmem>>, vector<1x1x1x16xf32>,
      %swap3A_303 = arith.constant 0 : i32
      %swap3A_304 = arith.constant 2 : i32
      %swap3A_305 = arith.constant 1 : i32
      %swap3A_306 = arith.index_cast %swap3A_303 : i32 to index
      %swap3A_307 = arith.index_cast %swap3A_304 : i32 to index
      %swap3A_308 = arith.index_cast %swap3A_305 : i32 to index
      %swap3A_309 = arith.index_cast %mul3A_293 : i32 to index
      %swap3A_310 = tpu.vector_load %arg7[%swap3A_306, %swap3A_307, %swap3A_308, %swap3A_309] {strides = array<i32>} : memref<4x4x4x128xf32, #tpu.memory_space<vmem>>, vector<1x1x1x16xf32>,
      %swap3A_311 = vector.shape_cast %swap3A_310 : vector<1x1x1x16xf32> to vector<16xf32>
      %swap3A_312 = vector.shape_cast %sub3A_277 : vector<16xf32> to vector<1x1x1x16xf32>
      tpu.vector_store %arg7[%swap3A_306, %swap3A_307, %swap3A_308, %swap3A_309], %swap3A_312 {strides = array<i32>} : memref<4x4x4x128xf32, #tpu.memory_space<vmem>>, vector<1x1x1x16xf32>,
      %swap3A_313 = arith.constant 0 : i32
      %swap3A_314 = arith.constant 2 : i32
      %swap3A_315 = arith.constant 2 : i32
      %swap3A_316 = arith.index_cast %swap3A_313 : i32 to index
      %swap3A_317 = arith.index_cast %swap3A_314 : i32 to index
      %swap3A_318 = arith.index_cast %swap3A_315 : i32 to index
      %swap3A_319 = arith.index_cast %mul3A_293 : i32 to index
      %swap3A_320 = tpu.vector_load %arg7[%swap3A_316, %swap3A_317, %swap3A_318, %swap3A_319] {strides = array<i32>} : memref<4x4x4x128xf32, #tpu.memory_space<vmem>>, vector<1x1x1x16xf32>,
      %swap3A_321 = vector.shape_cast %swap3A_320 : vector<1x1x1x16xf32> to vector<16xf32>
      %swap3A_322 = vector.shape_cast %add3A_279 : vector<16xf32> to vector<1x1x1x16xf32>
      tpu.vector_store %arg7[%swap3A_316, %swap3A_317, %swap3A_318, %swap3A_319], %swap3A_322 {strides = array<i32>} : memref<4x4x4x128xf32, #tpu.memory_space<vmem>>, vector<1x1x1x16xf32>,
      %swap3A_323 = arith.constant 0 : i32
      %swap3A_324 = arith.constant 2 : i32
      %swap3A_325 = arith.constant 3 : i32
      %swap3A_326 = arith.index_cast %swap3A_323 : i32 to index
      %swap3A_327 = arith.index_cast %swap3A_324 : i32 to index
      %swap3A_328 = arith.index_cast %swap3A_325 : i32 to index
      %swap3A_329 = arith.index_cast %mul3A_293 : i32 to index
      %swap3A_330 = tpu.vector_load %arg7[%swap3A_326, %swap3A_327, %swap3A_328, %swap3A_329] {strides = array<i32>} : memref<4x4x4x128xf32, #tpu.memory_space<vmem>>, vector<1x1x1x16xf32>,
      %swap3A_331 = vector.shape_cast %swap3A_330 : vector<1x1x1x16xf32> to vector<16xf32>
      %swap3A_332 = vector.shape_cast %get3A_213 : vector<16xf32> to vector<1x1x1x16xf32>
      tpu.vector_store %arg7[%swap3A_326, %swap3A_327, %swap3A_328, %swap3A_329], %swap3A_332 {strides = array<i32>} : memref<4x4x4x128xf32, #tpu.memory_space<vmem>>, vector<1x1x1x16xf32>,
      %swap3A_333 = arith.constant 1 : i32
      %swap3A_334 = arith.constant 2 : i32
      %swap3A_335 = arith.constant 0 : i32
      %swap3A_336 = arith.index_cast %swap3A_333 : i32 to index
      %swap3A_337 = arith.index_cast %swap3A_334 : i32 to index
      %swap3A_338 = arith.index_cast %swap3A_335 : i32 to index
      %swap3A_339 = arith.index_cast %mul3A_293 : i32 to index
      %swap3A_340 = tpu.vector_load %arg7[%swap3A_336, %swap3A_337, %swap3A_338, %swap3A_339] {strides = array<i32>} : memref<4x4x4x128xf32, #tpu.memory_space<vmem>>, vector<1x1x1x16xf32>,
      %swap3A_341 = vector.shape_cast %swap3A_340 : vector<1x1x1x16xf32> to vector<16xf32>
      %swap3A_342 = vector.shape_cast %add3A_281 : vector<16xf32> to vector<1x1x1x16xf32>
      tpu.vector_store %arg7[%swap3A_336, %swap3A_337, %swap3A_338, %swap3A_339], %swap3A_342 {strides = array<i32>} : memref<4x4x4x128xf32, #tpu.memory_space<vmem>>, vector<1x1x1x16xf32>,
      %swap3A_343 = arith.constant 1 : i32
      %swap3A_344 = arith.constant 2 : i32
      %swap3A_345 = arith.constant 1 : i32
      %swap3A_346 = arith.index_cast %swap3A_343 : i32 to index
      %swap3A_347 = arith.index_cast %swap3A_344 : i32 to index
      %swap3A_348 = arith.index_cast %swap3A_345 : i32 to index
      %swap3A_349 = arith.index_cast %mul3A_293 : i32 to index
      %swap3A_350 = tpu.vector_load %arg7[%swap3A_346, %swap3A_347, %swap3A_348, %swap3A_349] {strides = array<i32>} : memref<4x4x4x128xf32, #tpu.memory_space<vmem>>, vector<1x1x1x16xf32>,
      %swap3A_351 = vector.shape_cast %swap3A_350 : vector<1x1x1x16xf32> to vector<16xf32>
      %swap3A_352 = vector.shape_cast %add3A_283 : vector<16xf32> to vector<1x1x1x16xf32>
      tpu.vector_store %arg7[%swap3A_346, %swap3A_347, %swap3A_348, %swap3A_349], %swap3A_352 {strides = array<i32>} : memref<4x4x4x128xf32, #tpu.memory_space<vmem>>, vector<1x1x1x16xf32>,
      %swap3A_353 = arith.constant 1 : i32
      %swap3A_354 = arith.constant 2 : i32
      %swap3A_355 = arith.constant 2 : i32
      %swap3A_356 = arith.index_cast %swap3A_353 : i32 to index
      %swap3A_357 = arith.index_cast %swap3A_354 : i32 to index
      %swap3A_358 = arith.index_cast %swap3A_355 : i32 to index
      %swap3A_359 = arith.index_cast %mul3A_293 : i32 to index
      %swap3A_360 = tpu.vector_load %arg7[%swap3A_356, %swap3A_357, %swap3A_358, %swap3A_359] {strides = array<i32>} : memref<4x4x4x128xf32, #tpu.memory_space<vmem>>, vector<1x1x1x16xf32>,
      %swap3A_361 = vector.shape_cast %swap3A_360 : vector<1x1x1x16xf32> to vector<16xf32>
      %swap3A_362 = vector.shape_cast %sub3A_285 : vector<16xf32> to vector<1x1x1x16xf32>
      tpu.vector_store %arg7[%swap3A_356, %swap3A_357, %swap3A_358, %swap3A_359], %swap3A_362 {strides = array<i32>} : memref<4x4x4x128xf32, #tpu.memory_space<vmem>>, vector<1x1x1x16xf32>,
      %swap3A_363 = arith.constant 1 : i32
      %swap3A_364 = arith.constant 2 : i32
      %swap3A_365 = arith.constant 3 : i32
      %swap3A_366 = arith.index_cast %swap3A_363 : i32 to index
      %swap3A_367 = arith.index_cast %swap3A_364 : i32 to index
      %swap3A_368 = arith.index_cast %swap3A_365 : i32 to index
      %swap3A_369 = arith.index_cast %mul3A_293 : i32 to index
      %swap3A_370 = tpu.vector_load %arg7[%swap3A_366, %swap3A_367, %swap3A_368, %swap3A_369] {strides = array<i32>} : memref<4x4x4x128xf32, #tpu.memory_space<vmem>>, vector<1x1x1x16xf32>,
      %swap3A_371 = vector.shape_cast %swap3A_370 : vector<1x1x1x16xf32> to vector<16xf32>
      %swap3A_372 = vector.shape_cast %get3A_218 : vector<16xf32> to vector<1x1x1x16xf32>
      tpu.vector_store %arg7[%swap3A_366, %swap3A_367, %swap3A_368, %swap3A_369], %swap3A_372 {strides = array<i32>} : memref<4x4x4x128xf32, #tpu.memory_space<vmem>>, vector<1x1x1x16xf32>,
      %swap3A_373 = arith.constant 2 : i32
      %swap3A_374 = arith.constant 2 : i32
      %swap3A_375 = arith.constant 0 : i32
      %swap3A_376 = arith.index_cast %swap3A_373 : i32 to index
      %swap3A_377 = arith.index_cast %swap3A_374 : i32 to index
      %swap3A_378 = arith.index_cast %swap3A_375 : i32 to index
      %swap3A_379 = arith.index_cast %mul3A_293 : i32 to index
      %swap3A_380 = tpu.vector_load %arg7[%swap3A_376, %swap3A_377, %swap3A_378, %swap3A_379] {strides = array<i32>} : memref<4x4x4x128xf32, #tpu.memory_space<vmem>>, vector<1x1x1x16xf32>,
      %swap3A_381 = vector.shape_cast %swap3A_380 : vector<1x1x1x16xf32> to vector<16xf32>
      %swap3A_382 = vector.shape_cast %sub3A_287 : vector<16xf32> to vector<1x1x1x16xf32>
      tpu.vector_store %arg7[%swap3A_376, %swap3A_377, %swap3A_378, %swap3A_379], %swap3A_382 {strides = array<i32>} : memref<4x4x4x128xf32, #tpu.memory_space<vmem>>, vector<1x1x1x16xf32>,
      %swap3A_383 = arith.constant 2 : i32
      %swap3A_384 = arith.constant 2 : i32
      %swap3A_385 = arith.constant 1 : i32
      %swap3A_386 = arith.index_cast %swap3A_383 : i32 to index
      %swap3A_387 = arith.index_cast %swap3A_384 : i32 to index
      %swap3A_388 = arith.index_cast %swap3A_385 : i32 to index
      %swap3A_389 = arith.index_cast %mul3A_293 : i32 to index
      %swap3A_390 = tpu.vector_load %arg7[%swap3A_386, %swap3A_387, %swap3A_388, %swap3A_389] {strides = array<i32>} : memref<4x4x4x128xf32, #tpu.memory_space<vmem>>, vector<1x1x1x16xf32>,
      %swap3A_391 = vector.shape_cast %swap3A_390 : vector<1x1x1x16xf32> to vector<16xf32>
      %swap3A_392 = vector.shape_cast %add3A_289 : vector<16xf32> to vector<1x1x1x16xf32>
      tpu.vector_store %arg7[%swap3A_386, %swap3A_387, %swap3A_388, %swap3A_389], %swap3A_392 {strides = array<i32>} : memref<4x4x4x128xf32, #tpu.memory_space<vmem>>, vector<1x1x1x16xf32>,
      %swap3A_393 = arith.constant 2 : i32
      %swap3A_394 = arith.constant 2 : i32
      %swap3A_395 = arith.constant 2 : i32
      %swap3A_396 = arith.index_cast %swap3A_393 : i32 to index
      %swap3A_397 = arith.index_cast %swap3A_394 : i32 to index
      %swap3A_398 = arith.index_cast %swap3A_395 : i32 to index
      %swap3A_399 = arith.index_cast %mul3A_293 : i32 to index
      %swap3A_400 = tpu.vector_load %arg7[%swap3A_396, %swap3A_397, %swap3A_398, %swap3A_399] {strides = array<i32>} : memref<4x4x4x128xf32, #tpu.memory_space<vmem>>, vector<1x1x1x16xf32>,
      %swap3A_401 = vector.shape_cast %swap3A_400 : vector<1x1x1x16xf32> to vector<16xf32>
      %swap3A_402 = vector.shape_cast %add3A_291 : vector<16xf32> to vector<1x1x1x16xf32>
      tpu.vector_store %arg7[%swap3A_396, %swap3A_397, %swap3A_398, %swap3A_399], %swap3A_402 {strides = array<i32>} : memref<4x4x4x128xf32, #tpu.memory_space<vmem>>, vector<1x1x1x16xf32>,
      %swap3A_403 = arith.constant 2 : i32
      %swap3A_404 = arith.constant 2 : i32
      %swap3A_405 = arith.constant 3 : i32
      %swap3A_406 = arith.index_cast %swap3A_403 : i32 to index
      %swap3A_407 = arith.index_cast %swap3A_404 : i32 to index
      %swap3A_408 = arith.index_cast %swap3A_405 : i32 to index
      %swap3A_409 = arith.index_cast %mul3A_293 : i32 to index
      %swap3A_410 = tpu.vector_load %arg7[%swap3A_406, %swap3A_407, %swap3A_408, %swap3A_409] {strides = array<i32>} : memref<4x4x4x128xf32, #tpu.memory_space<vmem>>, vector<1x1x1x16xf32>,
      %swap3A_411 = vector.shape_cast %swap3A_410 : vector<1x1x1x16xf32> to vector<16xf32>
      %swap3A_412 = vector.shape_cast %get3A_223 : vector<16xf32> to vector<1x1x1x16xf32>
      tpu.vector_store %arg7[%swap3A_406, %swap3A_407, %swap3A_408, %swap3A_409], %swap3A_412 {strides = array<i32>} : memref<4x4x4x128xf32, #tpu.memory_space<vmem>>, vector<1x1x1x16xf32>,
      %swap3A_413 = arith.constant 3 : i32
      %swap3A_414 = arith.constant 2 : i32
      %swap3A_415 = arith.constant 0 : i32
      %swap3A_416 = arith.index_cast %swap3A_413 : i32 to index
      %swap3A_417 = arith.index_cast %swap3A_414 : i32 to index
      %swap3A_418 = arith.index_cast %swap3A_415 : i32 to index
      %swap3A_419 = arith.index_cast %mul3A_293 : i32 to index
      %swap3A_420 = tpu.vector_load %arg7[%swap3A_416, %swap3A_417, %swap3A_418, %swap3A_419] {strides = array<i32>} : memref<4x4x4x128xf32, #tpu.memory_space<vmem>>, vector<1x1x1x16xf32>,
      %swap3A_421 = vector.shape_cast %swap3A_420 : vector<1x1x1x16xf32> to vector<16xf32>
      %swap3A_422 = vector.shape_cast %broadcast_in_dim3A_80 : vector<16xf32> to vector<1x1x1x16xf32>
      tpu.vector_store %arg7[%swap3A_416, %swap3A_417, %swap3A_418, %swap3A_419], %swap3A_422 {strides = array<i32>} : memref<4x4x4x128xf32, #tpu.memory_space<vmem>>, vector<1x1x1x16xf32>,
      %swap3A_423 = arith.constant 3 : i32
      %swap3A_424 = arith.constant 2 : i32
      %swap3A_425 = arith.constant 1 : i32
      %swap3A_426 = arith.index_cast %swap3A_423 : i32 to index
      %swap3A_427 = arith.index_cast %swap3A_424 : i32 to index
      %swap3A_428 = arith.index_cast %swap3A_425 : i32 to index
      %swap3A_429 = arith.index_cast %mul3A_293 : i32 to index
      %swap3A_430 = tpu.vector_load %arg7[%swap3A_426, %swap3A_427, %swap3A_428, %swap3A_429] {strides = array<i32>} : memref<4x4x4x128xf32, #tpu.memory_space<vmem>>, vector<1x1x1x16xf32>,
      %swap3A_431 = vector.shape_cast %swap3A_430 : vector<1x1x1x16xf32> to vector<16xf32>
      %swap3A_432 = vector.shape_cast %broadcast_in_dim3A_80 : vector<16xf32> to vector<1x1x1x16xf32>
      tpu.vector_store %arg7[%swap3A_426, %swap3A_427, %swap3A_428, %swap3A_429], %swap3A_432 {strides = array<i32>} : memref<4x4x4x128xf32, #tpu.memory_space<vmem>>, vector<1x1x1x16xf32>,
      %swap3A_433 = arith.constant 3 : i32
      %swap3A_434 = arith.constant 2 : i32
      %swap3A_435 = arith.constant 2 : i32
      %swap3A_436 = arith.index_cast %swap3A_433 : i32 to index
      %swap3A_437 = arith.index_cast %swap3A_434 : i32 to index
      %swap3A_438 = arith.index_cast %swap3A_435 : i32 to index
      %swap3A_439 = arith.index_cast %mul3A_293 : i32 to index
      %swap3A_440 = tpu.vector_load %arg7[%swap3A_436, %swap3A_437, %swap3A_438, %swap3A_439] {strides = array<i32>} : memref<4x4x4x128xf32, #tpu.memory_space<vmem>>, vector<1x1x1x16xf32>,
      %swap3A_441 = vector.shape_cast %swap3A_440 : vector<1x1x1x16xf32> to vector<16xf32>
      %swap3A_442 = vector.shape_cast %broadcast_in_dim3A_80 : vector<16xf32> to vector<1x1x1x16xf32>
      tpu.vector_store %arg7[%swap3A_436, %swap3A_437, %swap3A_438, %swap3A_439], %swap3A_442 {strides = array<i32>} : memref<4x4x4x128xf32, #tpu.memory_space<vmem>>, vector<1x1x1x16xf32>,
      %swap3A_443 = arith.constant 3 : i32
      %swap3A_444 = arith.constant 2 : i32
      %swap3A_445 = arith.constant 3 : i32
      %swap3A_446 = arith.index_cast %swap3A_443 : i32 to index
      %swap3A_447 = arith.index_cast %swap3A_444 : i32 to index
      %swap3A_448 = arith.index_cast %swap3A_445 : i32 to index
      %swap3A_449 = arith.index_cast %mul3A_293 : i32 to index
      %swap3A_450 = tpu.vector_load %arg7[%swap3A_446, %swap3A_447, %swap3A_448, %swap3A_449] {strides = array<i32>} : memref<4x4x4x128xf32, #tpu.memory_space<vmem>>, vector<1x1x1x16xf32>,
      %swap3A_451 = vector.shape_cast %swap3A_450 : vector<1x1x1x16xf32> to vector<16xf32>
      %swap3A_452 = vector.shape_cast %broadcast_in_dim3A_82 : vector<16xf32> to vector<1x1x1x16xf32>
      tpu.vector_store %arg7[%swap3A_446, %swap3A_447, %swap3A_448, %swap3A_449], %swap3A_452 {strides = array<i32>} : memref<4x4x4x128xf32, #tpu.memory_space<vmem>>, vector<1x1x1x16xf32>,
      %scan3A_453 = arith.constant 0 : i32
      scf.yield %scan3A_453 : i32
    }
    %scan3A_179 = arith.constant 8 : i32
    %scan3A_180 = arith.constant 0 : i32
    %scan3A_181 = arith.constant 0 : i32
    %scan3A_182 = arith.constant 8 : i32
    %scan3A_183 = arith.addi %scan3A_181, %scan3A_182 : i32
    %scan3A_184 = arith.constant 1 : i32
    %scan3A_185 = scf.for %scan3A_189 = %scan3A_181 to %scan3A_183 step %scan3A_184 iter_args(%scan3A_190 = %scan3A_180) -> (i32)  : i32 {
      %mul3A_191 = arith.constant 16 : i32
      %mul3A_192 = arith.muli %scan3A_189, %mul3A_191 : i32
      %add3A_193 = arith.constant 384 : i32
      %add3A_194 = arith.addi %add3A_193, %mul3A_192 : i32
      %get3A = arith.constant 0 : i32
      %get3A_195 = arith.index_cast %get3A : i32 to index
      %get3A_196 = arith.index_cast %add3A_194 : i32 to index
      %get3A_197 = tpu.vector_load %arg6[%get3A_195, %get3A_196] {strides = array<i32>} : memref<6x512xf32, #tpu.memory_space<vmem>>, vector<1x16xf32>,
      %get3A_198 = vector.shape_cast %get3A_197 : vector<1x16xf32> to vector<16xf32>
      %get3A_199 = arith.constant 1 : i32
      %get3A_200 = arith.index_cast %get3A_199 : i32 to index
      %get3A_201 = arith.index_cast %add3A_194 : i32 to index
      %get3A_202 = tpu.vector_load %arg6[%get3A_200, %get3A_201] {strides = array<i32>} : memref<6x512xf32, #tpu.memory_space<vmem>>, vector<1x16xf32>,
      %get3A_203 = vector.shape_cast %get3A_202 : vector<1x16xf32> to vector<16xf32>
      %get3A_204 = arith.constant 2 : i32
      %get3A_205 = arith.index_cast %get3A_204 : i32 to index
      %get3A_206 = arith.index_cast %add3A_194 : i32 to index
      %get3A_207 = tpu.vector_load %arg6[%get3A_205, %get3A_206] {strides = array<i32>} : memref<6x512xf32, #tpu.memory_space<vmem>>, vector<1x16xf32>,
      %get3A_208 = vector.shape_cast %get3A_207 : vector<1x16xf32> to vector<16xf32>
      %get3A_209 = arith.constant 3 : i32
      %get3A_210 = arith.index_cast %get3A_209 : i32 to index
      %get3A_211 = arith.index_cast %add3A_194 : i32 to index
      %get3A_212 = tpu.vector_load %arg6[%get3A_210, %get3A_211] {strides = array<i32>} : memref<6x512xf32, #tpu.memory_space<vmem>>, vector<1x16xf32>,
      %get3A_213 = vector.shape_cast %get3A_212 : vector<1x16xf32> to vector<16xf32>
      %get3A_214 = arith.constant 4 : i32
      %get3A_215 = arith.index_cast %get3A_214 : i32 to index
      %get3A_216 = arith.index_cast %add3A_194 : i32 to index
      %get3A_217 = tpu.vector_load %arg6[%get3A_215, %get3A_216] {strides = array<i32>} : memref<6x512xf32, #tpu.memory_space<vmem>>, vector<1x16xf32>,
      %get3A_218 = vector.shape_cast %get3A_217 : vector<1x16xf32> to vector<16xf32>
      %get3A_219 = arith.constant 5 : i32
      %get3A_220 = arith.index_cast %get3A_219 : i32 to index
      %get3A_221 = arith.index_cast %add3A_194 : i32 to index
      %get3A_222 = tpu.vector_load %arg6[%get3A_220, %get3A_221] {strides = array<i32>} : memref<6x512xf32, #tpu.memory_space<vmem>>, vector<1x16xf32>,
      %get3A_223 = vector.shape_cast %get3A_222 : vector<1x16xf32> to vector<16xf32>
      %mul3A_224 = arith.mulf %get3A_198, %get3A_198 : vector<16xf32>
      %mul3A_225 = arith.mulf %get3A_203, %get3A_203 : vector<16xf32>
      %add3A_226 = arith.addf %mul3A_224, %mul3A_225 : vector<16xf32>
      %mul3A_227 = arith.mulf %get3A_208, %get3A_208 : vector<16xf32>
      %add3A_228 = arith.addf %add3A_226, %mul3A_227 : vector<16xf32>
      %broadcast_in_dim3A_229 = arith.constant 2.75573188E-6 : f32
      %broadcast_in_dim3A_230 = vector.broadcast %broadcast_in_dim3A_229 : f32 to vector<16xf32>
      %mul3A_231 = arith.mulf %broadcast_in_dim3A_230, %add3A_228 : vector<16xf32>
      %add3A_232 = arith.constant -1.98412701E-4 : f32
      %add3A_233 = vector.broadcast %add3A_232 : f32 to vector<16xf32>
      %add3A_234 = arith.addf %mul3A_231, %add3A_233 : vector<16xf32>
      %mul3A_235 = arith.mulf %add3A_234, %add3A_228 : vector<16xf32>
      %add3A_236 = arith.constant 0.00833333377 : f32
      %add3A_237 = vector.broadcast %add3A_236 : f32 to vector<16xf32>
      %add3A_238 = arith.addf %mul3A_235, %add3A_237 : vector<16xf32>
      %mul3A_239 = arith.mulf %add3A_238, %add3A_228 : vector<16xf32>
      %add3A_240 = arith.constant -0.166666672 : f32
      %add3A_241 = vector.broadcast %add3A_240 : f32 to vector<16xf32>
      %add3A_242 = arith.addf %mul3A_239, %add3A_241 : vector<16xf32>
      %mul3A_243 = arith.mulf %add3A_242, %add3A_228 : vector<16xf32>
      %add3A_244 = arith.constant 1.000000e+00 : f32
      %add3A_245 = vector.broadcast %add3A_244 : f32 to vector<16xf32>
      %add3A_246 = arith.addf %mul3A_243, %add3A_245 : vector<16xf32>
      %broadcast_in_dim3A_247 = arith.constant 2.755732E-7 : f32
      %broadcast_in_dim3A_248 = vector.broadcast %broadcast_in_dim3A_247 : f32 to vector<16xf32>
      %mul3A_249 = arith.mulf %broadcast_in_dim3A_248, %add3A_228 : vector<16xf32>
      %add3A_250 = arith.constant -2.48015876E-5 : f32
      %add3A_251 = vector.broadcast %add3A_250 : f32 to vector<16xf32>
      %add3A_252 = arith.addf %mul3A_249, %add3A_251 : vector<16xf32>
      %mul3A_253 = arith.mulf %add3A_252, %add3A_228 : vector<16xf32>
      %add3A_254 = arith.constant 0.00138888892 : f32
      %add3A_255 = vector.broadcast %add3A_254 : f32 to vector<16xf32>
      %add3A_256 = arith.addf %mul3A_253, %add3A_255 : vector<16xf32>
      %mul3A_257 = arith.mulf %add3A_256, %add3A_228 : vector<16xf32>
      %add3A_258 = arith.constant -0.0416666679 : f32
      %add3A_259 = vector.broadcast %add3A_258 : f32 to vector<16xf32>
      %add3A_260 = arith.addf %mul3A_257, %add3A_259 : vector<16xf32>
      %mul3A_261 = arith.mulf %add3A_260, %add3A_228 : vector<16xf32>
      %add3A_262 = arith.constant 5.000000e-01 : f32
      %add3A_263 = vector.broadcast %add3A_262 : f32 to vector<16xf32>
      %add3A_264 = arith.addf %mul3A_261, %add3A_263 : vector<16xf32>
      %mul3A_265 = arith.mulf %add3A_246, %get3A_198 : vector<16xf32>
      %mul3A_266 = arith.mulf %add3A_246, %get3A_203 : vector<16xf32>
      %mul3A_267 = arith.mulf %add3A_246, %get3A_208 : vector<16xf32>
      %mul3A_268 = arith.mulf %add3A_264, %get3A_198 : vector<16xf32>
      %mul3A_269 = arith.mulf %add3A_264, %get3A_203 : vector<16xf32>
      %mul3A_270 = arith.mulf %add3A_264, %get3A_208 : vector<16xf32>
      %mul3A_271 = arith.mulf %add3A_264, %add3A_228 : vector<16xf32>
      %sub3A = arith.constant 1.000000e+00 : f32
      %sub3A_272 = vector.broadcast %sub3A : f32 to vector<16xf32>
      %sub3A_273 = arith.subf %sub3A_272, %mul3A_271 : vector<16xf32>
      %mul3A_274 = arith.mulf %mul3A_268, %get3A_198 : vector<16xf32>
      %add3A_275 = arith.addf %sub3A_273, %mul3A_274 : vector<16xf32>
      %mul3A_276 = arith.mulf %mul3A_268, %get3A_203 : vector<16xf32>
      %sub3A_277 = arith.subf %mul3A_276, %mul3A_267 : vector<16xf32>
      %mul3A_278 = arith.mulf %mul3A_268, %get3A_208 : vector<16xf32>
      %add3A_279 = arith.addf %mul3A_278, %mul3A_266 : vector<16xf32>
      %mul3A_280 = arith.mulf %mul3A_269, %get3A_198 : vector<16xf32>
      %add3A_281 = arith.addf %mul3A_280, %mul3A_267 : vector<16xf32>
      %mul3A_282 = arith.mulf %mul3A_269, %get3A_203 : vector<16xf32>
      %add3A_283 = arith.addf %sub3A_273, %mul3A_282 : vector<16xf32>
      %mul3A_284 = arith.mulf %mul3A_269, %get3A_208 : vector<16xf32>
      %sub3A_285 = arith.subf %mul3A_284, %mul3A_265 : vector<16xf32>
      %mul3A_286 = arith.mulf %mul3A_270, %get3A_198 : vector<16xf32>
      %sub3A_287 = arith.subf %mul3A_286, %mul3A_266 : vector<16xf32>
      %mul3A_288 = arith.mulf %mul3A_270, %get3A_203 : vector<16xf32>
      %add3A_289 = arith.addf %mul3A_288, %mul3A_265 : vector<16xf32>
      %mul3A_290 = arith.mulf %mul3A_270, %get3A_208 : vector<16xf32>
      %add3A_291 = arith.addf %sub3A_273, %mul3A_290 : vector<16xf32>
      %mul3A_292 = arith.constant 16 : i32
      %mul3A_293 = arith.muli %scan3A_189, %mul3A_292 : i32
      %swap3A = arith.constant 0 : i32
      %swap3A_294 = arith.constant 3 : i32
      %swap3A_295 = arith.constant 0 : i32
      %swap3A_296 = arith.index_cast %swap3A : i32 to index
      %swap3A_297 = arith.index_cast %swap3A_294 : i32 to index
      %swap3A_298 = arith.index_cast %swap3A_295 : i32 to index
      %swap3A_299 = arith.index_cast %mul3A_293 : i32 to index
      %swap3A_300 = tpu.vector_load %arg7[%swap3A_296, %swap3A_297, %swap3A_298, %swap3A_299] {strides = array<i32>} : memref<4x4x4x128xf32, #tpu.memory_space<vmem>>, vector<1x1x1x16xf32>,
      %swap3A_301 = vector.shape_cast %swap3A_300 : vector<1x1x1x16xf32> to vector<16xf32>
      %swap3A_302 = vector.shape_cast %add3A_275 : vector<16xf32> to vector<1x1x1x16xf32>
      tpu.vector_store %arg7[%swap3A_296, %swap3A_297, %swap3A_298, %swap3A_299], %swap3A_302 {strides = array<i32>} : memref<4x4x4x128xf32, #tpu.memory_space<vmem>>, vector<1x1x1x16xf32>,
      %swap3A_303 = arith.constant 0 : i32
      %swap3A_304 = arith.constant 3 : i32
      %swap3A_305 = arith.constant 1 : i32
      %swap3A_306 = arith.index_cast %swap3A_303 : i32 to index
      %swap3A_307 = arith.index_cast %swap3A_304 : i32 to index
      %swap3A_308 = arith.index_cast %swap3A_305 : i32 to index
      %swap3A_309 = arith.index_cast %mul3A_293 : i32 to index
      %swap3A_310 = tpu.vector_load %arg7[%swap3A_306, %swap3A_307, %swap3A_308, %swap3A_309] {strides = array<i32>} : memref<4x4x4x128xf32, #tpu.memory_space<vmem>>, vector<1x1x1x16xf32>,
      %swap3A_311 = vector.shape_cast %swap3A_310 : vector<1x1x1x16xf32> to vector<16xf32>
      %swap3A_312 = vector.shape_cast %sub3A_277 : vector<16xf32> to vector<1x1x1x16xf32>
      tpu.vector_store %arg7[%swap3A_306, %swap3A_307, %swap3A_308, %swap3A_309], %swap3A_312 {strides = array<i32>} : memref<4x4x4x128xf32, #tpu.memory_space<vmem>>, vector<1x1x1x16xf32>,
      %swap3A_313 = arith.constant 0 : i32
      %swap3A_314 = arith.constant 3 : i32
      %swap3A_315 = arith.constant 2 : i32
      %swap3A_316 = arith.index_cast %swap3A_313 : i32 to index
      %swap3A_317 = arith.index_cast %swap3A_314 : i32 to index
      %swap3A_318 = arith.index_cast %swap3A_315 : i32 to index
      %swap3A_319 = arith.index_cast %mul3A_293 : i32 to index
      %swap3A_320 = tpu.vector_load %arg7[%swap3A_316, %swap3A_317, %swap3A_318, %swap3A_319] {strides = array<i32>} : memref<4x4x4x128xf32, #tpu.memory_space<vmem>>, vector<1x1x1x16xf32>,
      %swap3A_321 = vector.shape_cast %swap3A_320 : vector<1x1x1x16xf32> to vector<16xf32>
      %swap3A_322 = vector.shape_cast %add3A_279 : vector<16xf32> to vector<1x1x1x16xf32>
      tpu.vector_store %arg7[%swap3A_316, %swap3A_317, %swap3A_318, %swap3A_319], %swap3A_322 {strides = array<i32>} : memref<4x4x4x128xf32, #tpu.memory_space<vmem>>, vector<1x1x1x16xf32>,
      %swap3A_323 = arith.constant 0 : i32
      %swap3A_324 = arith.constant 3 : i32
      %swap3A_325 = arith.constant 3 : i32
      %swap3A_326 = arith.index_cast %swap3A_323 : i32 to index
      %swap3A_327 = arith.index_cast %swap3A_324 : i32 to index
      %swap3A_328 = arith.index_cast %swap3A_325 : i32 to index
      %swap3A_329 = arith.index_cast %mul3A_293 : i32 to index
      %swap3A_330 = tpu.vector_load %arg7[%swap3A_326, %swap3A_327, %swap3A_328, %swap3A_329] {strides = array<i32>} : memref<4x4x4x128xf32, #tpu.memory_space<vmem>>, vector<1x1x1x16xf32>,
      %swap3A_331 = vector.shape_cast %swap3A_330 : vector<1x1x1x16xf32> to vector<16xf32>
      %swap3A_332 = vector.shape_cast %get3A_213 : vector<16xf32> to vector<1x1x1x16xf32>
      tpu.vector_store %arg7[%swap3A_326, %swap3A_327, %swap3A_328, %swap3A_329], %swap3A_332 {strides = array<i32>} : memref<4x4x4x128xf32, #tpu.memory_space<vmem>>, vector<1x1x1x16xf32>,
      %swap3A_333 = arith.constant 1 : i32
      %swap3A_334 = arith.constant 3 : i32
      %swap3A_335 = arith.constant 0 : i32
      %swap3A_336 = arith.index_cast %swap3A_333 : i32 to index
      %swap3A_337 = arith.index_cast %swap3A_334 : i32 to index
      %swap3A_338 = arith.index_cast %swap3A_335 : i32 to index
      %swap3A_339 = arith.index_cast %mul3A_293 : i32 to index
      %swap3A_340 = tpu.vector_load %arg7[%swap3A_336, %swap3A_337, %swap3A_338, %swap3A_339] {strides = array<i32>} : memref<4x4x4x128xf32, #tpu.memory_space<vmem>>, vector<1x1x1x16xf32>,
      %swap3A_341 = vector.shape_cast %swap3A_340 : vector<1x1x1x16xf32> to vector<16xf32>
      %swap3A_342 = vector.shape_cast %add3A_281 : vector<16xf32> to vector<1x1x1x16xf32>
      tpu.vector_store %arg7[%swap3A_336, %swap3A_337, %swap3A_338, %swap3A_339], %swap3A_342 {strides = array<i32>} : memref<4x4x4x128xf32, #tpu.memory_space<vmem>>, vector<1x1x1x16xf32>,
      %swap3A_343 = arith.constant 1 : i32
      %swap3A_344 = arith.constant 3 : i32
      %swap3A_345 = arith.constant 1 : i32
      %swap3A_346 = arith.index_cast %swap3A_343 : i32 to index
      %swap3A_347 = arith.index_cast %swap3A_344 : i32 to index
      %swap3A_348 = arith.index_cast %swap3A_345 : i32 to index
      %swap3A_349 = arith.index_cast %mul3A_293 : i32 to index
      %swap3A_350 = tpu.vector_load %arg7[%swap3A_346, %swap3A_347, %swap3A_348, %swap3A_349] {strides = array<i32>} : memref<4x4x4x128xf32, #tpu.memory_space<vmem>>, vector<1x1x1x16xf32>,
      %swap3A_351 = vector.shape_cast %swap3A_350 : vector<1x1x1x16xf32> to vector<16xf32>
      %swap3A_352 = vector.shape_cast %add3A_283 : vector<16xf32> to vector<1x1x1x16xf32>
      tpu.vector_store %arg7[%swap3A_346, %swap3A_347, %swap3A_348, %swap3A_349], %swap3A_352 {strides = array<i32>} : memref<4x4x4x128xf32, #tpu.memory_space<vmem>>, vector<1x1x1x16xf32>,
      %swap3A_353 = arith.constant 1 : i32
      %swap3A_354 = arith.constant 3 : i32
      %swap3A_355 = arith.constant 2 : i32
      %swap3A_356 = arith.index_cast %swap3A_353 : i32 to index
      %swap3A_357 = arith.index_cast %swap3A_354 : i32 to index
      %swap3A_358 = arith.index_cast %swap3A_355 : i32 to index
      %swap3A_359 = arith.index_cast %mul3A_293 : i32 to index
      %swap3A_360 = tpu.vector_load %arg7[%swap3A_356, %swap3A_357, %swap3A_358, %swap3A_359] {strides = array<i32>} : memref<4x4x4x128xf32, #tpu.memory_space<vmem>>, vector<1x1x1x16xf32>,
      %swap3A_361 = vector.shape_cast %swap3A_360 : vector<1x1x1x16xf32> to vector<16xf32>
      %swap3A_362 = vector.shape_cast %sub3A_285 : vector<16xf32> to vector<1x1x1x16xf32>
      tpu.vector_store %arg7[%swap3A_356, %swap3A_357, %swap3A_358, %swap3A_359], %swap3A_362 {strides = array<i32>} : memref<4x4x4x128xf32, #tpu.memory_space<vmem>>, vector<1x1x1x16xf32>,
      %swap3A_363 = arith.constant 1 : i32
      %swap3A_364 = arith.constant 3 : i32
      %swap3A_365 = arith.constant 3 : i32
      %swap3A_366 = arith.index_cast %swap3A_363 : i32 to index
      %swap3A_367 = arith.index_cast %swap3A_364 : i32 to index
      %swap3A_368 = arith.index_cast %swap3A_365 : i32 to index
      %swap3A_369 = arith.index_cast %mul3A_293 : i32 to index
      %swap3A_370 = tpu.vector_load %arg7[%swap3A_366, %swap3A_367, %swap3A_368, %swap3A_369] {strides = array<i32>} : memref<4x4x4x128xf32, #tpu.memory_space<vmem>>, vector<1x1x1x16xf32>,
      %swap3A_371 = vector.shape_cast %swap3A_370 : vector<1x1x1x16xf32> to vector<16xf32>
      %swap3A_372 = vector.shape_cast %get3A_218 : vector<16xf32> to vector<1x1x1x16xf32>
      tpu.vector_store %arg7[%swap3A_366, %swap3A_367, %swap3A_368, %swap3A_369], %swap3A_372 {strides = array<i32>} : memref<4x4x4x128xf32, #tpu.memory_space<vmem>>, vector<1x1x1x16xf32>,
      %swap3A_373 = arith.constant 2 : i32
      %swap3A_374 = arith.constant 3 : i32
      %swap3A_375 = arith.constant 0 : i32
      %swap3A_376 = arith.index_cast %swap3A_373 : i32 to index
      %swap3A_377 = arith.index_cast %swap3A_374 : i32 to index
      %swap3A_378 = arith.index_cast %swap3A_375 : i32 to index
      %swap3A_379 = arith.index_cast %mul3A_293 : i32 to index
      %swap3A_380 = tpu.vector_load %arg7[%swap3A_376, %swap3A_377, %swap3A_378, %swap3A_379] {strides = array<i32>} : memref<4x4x4x128xf32, #tpu.memory_space<vmem>>, vector<1x1x1x16xf32>,
      %swap3A_381 = vector.shape_cast %swap3A_380 : vector<1x1x1x16xf32> to vector<16xf32>
      %swap3A_382 = vector.shape_cast %sub3A_287 : vector<16xf32> to vector<1x1x1x16xf32>
      tpu.vector_store %arg7[%swap3A_376, %swap3A_377, %swap3A_378, %swap3A_379], %swap3A_382 {strides = array<i32>} : memref<4x4x4x128xf32, #tpu.memory_space<vmem>>, vector<1x1x1x16xf32>,
      %swap3A_383 = arith.constant 2 : i32
      %swap3A_384 = arith.constant 3 : i32
      %swap3A_385 = arith.constant 1 : i32
      %swap3A_386 = arith.index_cast %swap3A_383 : i32 to index
      %swap3A_387 = arith.index_cast %swap3A_384 : i32 to index
      %swap3A_388 = arith.index_cast %swap3A_385 : i32 to index
      %swap3A_389 = arith.index_cast %mul3A_293 : i32 to index
      %swap3A_390 = tpu.vector_load %arg7[%swap3A_386, %swap3A_387, %swap3A_388, %swap3A_389] {strides = array<i32>} : memref<4x4x4x128xf32, #tpu.memory_space<vmem>>, vector<1x1x1x16xf32>,
      %swap3A_391 = vector.shape_cast %swap3A_390 : vector<1x1x1x16xf32> to vector<16xf32>
      %swap3A_392 = vector.shape_cast %add3A_289 : vector<16xf32> to vector<1x1x1x16xf32>
      tpu.vector_store %arg7[%swap3A_386, %swap3A_387, %swap3A_388, %swap3A_389], %swap3A_392 {strides = array<i32>} : memref<4x4x4x128xf32, #tpu.memory_space<vmem>>, vector<1x1x1x16xf32>,
      %swap3A_393 = arith.constant 2 : i32
      %swap3A_394 = arith.constant 3 : i32
      %swap3A_395 = arith.constant 2 : i32
      %swap3A_396 = arith.index_cast %swap3A_393 : i32 to index
      %swap3A_397 = arith.index_cast %swap3A_394 : i32 to index
      %swap3A_398 = arith.index_cast %swap3A_395 : i32 to index
      %swap3A_399 = arith.index_cast %mul3A_293 : i32 to index
      %swap3A_400 = tpu.vector_load %arg7[%swap3A_396, %swap3A_397, %swap3A_398, %swap3A_399] {strides = array<i32>} : memref<4x4x4x128xf32, #tpu.memory_space<vmem>>, vector<1x1x1x16xf32>,
      %swap3A_401 = vector.shape_cast %swap3A_400 : vector<1x1x1x16xf32> to vector<16xf32>
      %swap3A_402 = vector.shape_cast %add3A_291 : vector<16xf32> to vector<1x1x1x16xf32>
      tpu.vector_store %arg7[%swap3A_396, %swap3A_397, %swap3A_398, %swap3A_399], %swap3A_402 {strides = array<i32>} : memref<4x4x4x128xf32, #tpu.memory_space<vmem>>, vector<1x1x1x16xf32>,
      %swap3A_403 = arith.constant 2 : i32
      %swap3A_404 = arith.constant 3 : i32
      %swap3A_405 = arith.constant 3 : i32
      %swap3A_406 = arith.index_cast %swap3A_403 : i32 to index
      %swap3A_407 = arith.index_cast %swap3A_404 : i32 to index
      %swap3A_408 = arith.index_cast %swap3A_405 : i32 to index
      %swap3A_409 = arith.index_cast %mul3A_293 : i32 to index
      %swap3A_410 = tpu.vector_load %arg7[%swap3A_406, %swap3A_407, %swap3A_408, %swap3A_409] {strides = array<i32>} : memref<4x4x4x128xf32, #tpu.memory_space<vmem>>, vector<1x1x1x16xf32>,
      %swap3A_411 = vector.shape_cast %swap3A_410 : vector<1x1x1x16xf32> to vector<16xf32>
      %swap3A_412 = vector.shape_cast %get3A_223 : vector<16xf32> to vector<1x1x1x16xf32>
      tpu.vector_store %arg7[%swap3A_406, %swap3A_407, %swap3A_408, %swap3A_409], %swap3A_412 {strides = array<i32>} : memref<4x4x4x128xf32, #tpu.memory_space<vmem>>, vector<1x1x1x16xf32>,
      %swap3A_413 = arith.constant 3 : i32
      %swap3A_414 = arith.constant 3 : i32
      %swap3A_415 = arith.constant 0 : i32
      %swap3A_416 = arith.index_cast %swap3A_413 : i32 to index
      %swap3A_417 = arith.index_cast %swap3A_414 : i32 to index
      %swap3A_418 = arith.index_cast %swap3A_415 : i32 to index
      %swap3A_419 = arith.index_cast %mul3A_293 : i32 to index
      %swap3A_420 = tpu.vector_load %arg7[%swap3A_416, %swap3A_417, %swap3A_418, %swap3A_419] {strides = array<i32>} : memref<4x4x4x128xf32, #tpu.memory_space<vmem>>, vector<1x1x1x16xf32>,
      %swap3A_421 = vector.shape_cast %swap3A_420 : vector<1x1x1x16xf32> to vector<16xf32>
      %swap3A_422 = vector.shape_cast %broadcast_in_dim3A_80 : vector<16xf32> to vector<1x1x1x16xf32>
      tpu.vector_store %arg7[%swap3A_416, %swap3A_417, %swap3A_418, %swap3A_419], %swap3A_422 {strides = array<i32>} : memref<4x4x4x128xf32, #tpu.memory_space<vmem>>, vector<1x1x1x16xf32>,
      %swap3A_423 = arith.constant 3 : i32
      %swap3A_424 = arith.constant 3 : i32
      %swap3A_425 = arith.constant 1 : i32
      %swap3A_426 = arith.index_cast %swap3A_423 : i32 to index
      %swap3A_427 = arith.index_cast %swap3A_424 : i32 to index
      %swap3A_428 = arith.index_cast %swap3A_425 : i32 to index
      %swap3A_429 = arith.index_cast %mul3A_293 : i32 to index
      %swap3A_430 = tpu.vector_load %arg7[%swap3A_426, %swap3A_427, %swap3A_428, %swap3A_429] {strides = array<i32>} : memref<4x4x4x128xf32, #tpu.memory_space<vmem>>, vector<1x1x1x16xf32>,
      %swap3A_431 = vector.shape_cast %swap3A_430 : vector<1x1x1x16xf32> to vector<16xf32>
      %swap3A_432 = vector.shape_cast %broadcast_in_dim3A_80 : vector<16xf32> to vector<1x1x1x16xf32>
      tpu.vector_store %arg7[%swap3A_426, %swap3A_427, %swap3A_428, %swap3A_429], %swap3A_432 {strides = array<i32>} : memref<4x4x4x128xf32, #tpu.memory_space<vmem>>, vector<1x1x1x16xf32>,
      %swap3A_433 = arith.constant 3 : i32
      %swap3A_434 = arith.constant 3 : i32
      %swap3A_435 = arith.constant 2 : i32
      %swap3A_436 = arith.index_cast %swap3A_433 : i32 to index
      %swap3A_437 = arith.index_cast %swap3A_434 : i32 to index
      %swap3A_438 = arith.index_cast %swap3A_435 : i32 to index
      %swap3A_439 = arith.index_cast %mul3A_293 : i32 to index
      %swap3A_440 = tpu.vector_load %arg7[%swap3A_436, %swap3A_437, %swap3A_438, %swap3A_439] {strides = array<i32>} : memref<4x4x4x128xf32, #tpu.memory_space<vmem>>, vector<1x1x1x16xf32>,
      %swap3A_441 = vector.shape_cast %swap3A_440 : vector<1x1x1x16xf32> to vector<16xf32>
      %swap3A_442 = vector.shape_cast %broadcast_in_dim3A_80 : vector<16xf32> to vector<1x1x1x16xf32>
      tpu.vector_store %arg7[%swap3A_436, %swap3A_437, %swap3A_438, %swap3A_439], %swap3A_442 {strides = array<i32>} : memref<4x4x4x128xf32, #tpu.memory_space<vmem>>, vector<1x1x1x16xf32>,
      %swap3A_443 = arith.constant 3 : i32
      %swap3A_444 = arith.constant 3 : i32
      %swap3A_445 = arith.constant 3 : i32
      %swap3A_446 = arith.index_cast %swap3A_443 : i32 to index
      %swap3A_447 = arith.index_cast %swap3A_444 : i32 to index
      %swap3A_448 = arith.index_cast %swap3A_445 : i32 to index
      %swap3A_449 = arith.index_cast %mul3A_293 : i32 to index
      %swap3A_450 = tpu.vector_load %arg7[%swap3A_446, %swap3A_447, %swap3A_448, %swap3A_449] {strides = array<i32>} : memref<4x4x4x128xf32, #tpu.memory_space<vmem>>, vector<1x1x1x16xf32>,
      %swap3A_451 = vector.shape_cast %swap3A_450 : vector<1x1x1x16xf32> to vector<16xf32>
      %swap3A_452 = vector.shape_cast %broadcast_in_dim3A_82 : vector<16xf32> to vector<1x1x1x16xf32>
      tpu.vector_store %arg7[%swap3A_446, %swap3A_447, %swap3A_448, %swap3A_449], %swap3A_452 {strides = array<i32>} : memref<4x4x4x128xf32, #tpu.memory_space<vmem>>, vector<1x1x1x16xf32>,
      %scan3A_453 = arith.constant 0 : i32
      scf.yield %scan3A_453 : i32
    }
    %scan3A_186 = arith.constant 8 : i32
    %mul3A_187 = arith.constant 4 : i32
    %mul3A_188 = arith.muli %add3A, %mul3A_187 : i32
    "tpu.region"() ({
      %run_scoped3A = tpu.sem_alloc : memref<!tpu.dma_semaphore, #tpu.memory_space<semaphore_mem>>
      %dma_start3A_189 = arith.constant 0 : i32
      %dma_start3A_190 = arith.constant 0 : i32
      %dma_start3A_191 = arith.constant 0 : i32
      %dma_start3A_192 = tpu.memref_slice %arg4[%dma_start3A_189, %mul3A_188, %dma_start3A_190, %dma_start3A_191] : memref<4x128x4x128xf32, #tpu.memory_space<hbm>> -> memref<4x4x4x128xf32, #tpu.memory_space<hbm>>
      %dma_start3A_193 = arith.constant 0 : i32
      %dma_start3A_194 = arith.constant 0 : i32
      %dma_start3A_195 = arith.constant 0 : i32
      %dma_start3A_196 = tpu.memref_slice %arg4[%dma_start3A_193, %mul3A_188, %dma_start3A_194, %dma_start3A_195] : memref<4x128x4x128xf32, #tpu.memory_space<hbm>> -> memref<4x4x4x128xf32, #tpu.memory_space<hbm>>
      tpu.enqueue_dma source(%arg7 : memref<4x4x4x128xf32, #tpu.memory_space<vmem>>) target(%dma_start3A_196 : memref<4x4x4x128xf32, #tpu.memory_space<hbm>>) target_semaphore(%run_scoped3A : memref<!tpu.dma_semaphore, #tpu.memory_space<semaphore_mem>>)
      %dma_wait3A_197 = arith.constant 0 : i32
      %dma_wait3A_198 = arith.constant 0 : i32
      %dma_wait3A_199 = arith.constant 0 : i32
      %dma_wait3A_200 = tpu.memref_slice %arg4[%dma_wait3A_197, %mul3A_188, %dma_wait3A_198, %dma_wait3A_199] : memref<4x128x4x128xf32, #tpu.memory_space<hbm>> -> memref<4x4x4x128xf32, #tpu.memory_space<hbm>>
      %dma_wait3A_201 = arith.constant 0 : i32
      %dma_wait3A_202 = arith.constant 0 : i32
      %dma_wait3A_203 = arith.constant 0 : i32
      %dma_wait3A_204 = tpu.memref_slice %arg4[%dma_wait3A_201, %mul3A_188, %dma_wait3A_202, %dma_wait3A_203] : memref<4x128x4x128xf32, #tpu.memory_space<hbm>> -> memref<4x4x4x128xf32, #tpu.memory_space<hbm>>
      tpu.wait_dma2 semaphore(%run_scoped3A : memref<!tpu.dma_semaphore, #tpu.memory_space<semaphore_mem>>) src(%arg7 : memref<4x4x4x128xf32, #tpu.memory_space<vmem>>) dst(%dma_wait3A_204 : memref<4x4x4x128xf32, #tpu.memory_space<hbm>>)
      tpu.yield
    }) : () -> ()
    return
  }
}

</mosaic_0001>

<sc_bundles>
// kernel: kernel.3.cloned.1.call-start
scs
__scs_entry_jumppad:
0x0: {  	(pc) =	sbr.rel $0x88, $3  }
0x1: {  	(tag) =	ssettag $0x0;
	lr =	simm.s32 $0x1  }
0x2: {  	[smem:$0x3F9E] =	sst lr;
	_ =	strace $0xD0000000  }
0x3: {  	_ = 	snop  }
0x4: {  	_ = 	snop  }
0x5: {  	_ = 	snop  }
0x6: {  	_ = 	snop  }
0x7: {  	_ = 	snop  }
__scs_overlays_trampoline_lowered:
0x8: {  	[smem:$0x3FAD] =	sst s0  }
0x9: {  	[smem:$0x3FAE] =	sst s1  }
0xa: {  	[smem:$0x3FAF] =	sst s2  }
0xb: {  	[smem:$0x3FB0] =	sst s3  }
0xc: {  	[smem:$0x3FB1] =	sst s4  }
0xd: {  	[smem:$0x3FB2] =	sst s5  }
0xe: {  	[smem:$0x3FB3] =	sst s6  }
0xf: {  	[smem:$0x3FB4] =	sst s7  }
0x10: {  	[smem:$0x3FB5] =	sst s8  }
0x11: {  	[smem:$0x3FB6] =	sst s9;
	s0 =	simm.s32 @!p0 $0x0  }
0x12: {  	s1 =	sld [smem:$0x3F9C];
	s0 =	simm.s32 @p0 $0x1  }
0x13: {  	[smem:$0x3FB7] =	sst s0;
	s0 =	simm.s32 @!p1 $0x0  }
0x14: {  	s2 =	sld [smem:$0x3F9B];
	s0 =	simm.s32 @p1 $0x1  }
0x15: {  	[smem:$0x3FB8] =	sst s0;
	s0 =	simm.s32 @!p2 $0x0  }
0x16: {  	s3 =	sld [smem:$0x3FDB];
	s0 =	simm.s32 @p2 $0x1  }
0x17: {  	s4 =	simm.s32 $0x1BF5;
	[smem:$0x3FBA] =	sst s0  }
0x18: {  	s0 =	sld [smem:$0x3F9D];
	_ =	swait.ge [sflag:s4], $0x0  }
0x19: {  	s7 =	sld [smem:$0x3F9E]  }
0x1a: {  	s8 =	sadd.s32 $0xFFFFE003, lr  }
0x1b: {  	s9 =	sadd.s32 $0xFFFFFEF7, lr;
	s5 =	simm.s32 $0xFFFFFFFF;
	p2 =	slt.u32 s8, $0xFFFFF086  }
0x1c: {  	p1 =	slt.u32 s9, $0xF7A;
	s5 =	simm.s32 @!p2 $0x0  }
0x1d: {  	s5 =	simm.s32 @p1 $0x1;
	p0 =	seq.s32 s7, s2  }
0x1e: {  	s7 =	smul.u32 @!p0 $0xF7A, s2;
	p2 =	seq.s32 @!p0 s5, $0x0  }
0x1f: {  	s9 =	smul.u32 $0xF7A, s1;
	s8 =	simm.s32 @!p0 $0x1BF5;
	p2 =	por !p2, p0  }
0x20: {  	[sflag:s8] =	ssyncset.s32 @!p0 $0xFFFFF086;
	s6 =	sadd.s32 @!p0 s3, s7;
	s7 =	simm.s32 @!p0 $0x108  }
0x21: {  	s3 =	sadd.s32 s3, s9;
	s6 =	sadd.s32 @!p0 $0x88, s6;
	s7 =	simm.s32 @p2 $0x1082  }
0x22: {  	[simem:s7], [sflag:s8] =	dma.local @!p0 [hbm:s6], $0xF7A  }
0x23: {  	s9 =	sor.u32 $0xD0000000, s2;
	s6 =	simm.s32 $0x108;
	_ =	swait.ge @!p0 [sflag:s8], $0x0  }
0x24: {  	s3 =	sadd.s32 $0x88, s3;
	s6 =	simm.s32 @!p1 $0x1082;
	[sflag:s4] =	ssyncset.s32 $0xFFFFF086  }
0x25: {  	[simem:s6], [sflag:s4] =	dma.local [hbm:s3], $0xF7A  }
0x26: {  	[smem:$0x3F9E] =	sst s1;
	(tag) =	ssettag s2;
	_ =	strace s9  }
0x27: {  	s1 =	sld [smem:$0x3FAE]  }
0x28: {  	s2 =	sld [smem:$0x3FAF]  }
0x29: {  	s4 =	sld [smem:$0x3FB1]  }
0x2a: {  	p0 =	seq.s32 s5, $0x0;
	s5 =	sld [smem:$0x3FB2]  }
0x2b: {  	s6 =	sld [smem:$0x3FB3]  }
0x2c: {  	s7 =	sld [smem:$0x3FB4]  }
0x2d: {  	s3 =	simm.s32 $0x108;
	s8 =	sld [smem:$0x3FB5]  }
0x2e: {  	s3 =	simm.s32 @!p0 $0x1082;
	s9 =	sld [smem:$0x3FB6]  }
0x2f: {  	lr =	sadd.s32 s0, s3;
	s0 =	sld [smem:$0x3FAD]  }
0x30: {  	s3 =	sld [smem:$0x3FB0]  }
0x31: {  	[smem:$0x3FB9] =	sst s10  }
0x32: {  	s10 =	sld [smem:$0x3FB7];
	_ =	sdelay $0x3  }
0x33: {  	p0 =	seq.s32 s10, $0x1;
	s10 =	sld [smem:$0x3FB9];
	_ =	sdelay $0x3  }
0x34: {  	[smem:$0x3FB9] =	sst s10  }
0x35: {  	s10 =	sld [smem:$0x3FB8];
	_ =	sdelay $0x3  }
0x36: {  	p1 =	seq.s32 s10, $0x1;
	s10 =	sld [smem:$0x3FB9];
	_ =	sdelay $0x3  }
0x37: {  	[smem:$0x3FB9] =	sst s10  }
0x38: {  	s10 =	sld [smem:$0x3FBA]  }
0x39: {  	_ = 	snop;
	(pc) =	sbr.ind lr, $3  }
0x3a: {  	_ = 	snop  }
0x3b: {  	_ = 	snop  }
0x3c: {  	p2 =	seq.s32 s10, $0x1;
	s10 =	sld [smem:$0x3FB9]  }
0x3d: {  	_ =	shalt  }
0x3e: {  	_ =	shalt  }
0x3f: {  	_ =	shalt  }
0x40: {  	_ =	shalt  }
0x41: {  	_ =	shalt  }
0x42: {  	_ =	shalt  }
0x43: {  	_ =	shalt  }
0x44: {  	_ =	shalt  }
0x45: {  	_ =	shalt  }
0x46: {  	_ =	shalt  }
0x47: {  	_ =	shalt  }
0x48: {  	_ =	shalt  }
0x49: {  	_ =	shalt  }
0x4a: {  	_ =	shalt  }
0x4b: {  	_ =	shalt  }
0x4c: {  	_ =	shalt  }
0x4d: {  	_ =	shalt  }
0x4e: {  	_ =	shalt  }
0x4f: {  	_ =	shalt  }
0x50: {  	_ =	shalt  }
0x51: {  	_ =	shalt  }
0x52: {  	_ =	shalt  }
0x53: {  	_ =	shalt  }
0x54: {  	_ =	shalt  }
0x55: {  	_ =	shalt  }
0x56: {  	_ =	shalt  }
0x57: {  	_ =	shalt  }
0x58: {  	_ =	shalt  }
0x59: {  	_ =	shalt  }
0x5a: {  	_ =	shalt  }
0x5b: {  	_ =	shalt  }
0x5c: {  	_ =	shalt  }
0x5d: {  	_ =	shalt  }
0x5e: {  	_ =	shalt  }
0x5f: {  	_ =	shalt  }
0x60: {  	_ =	shalt  }
0x61: {  	_ =	shalt  }
0x62: {  	_ =	shalt  }
0x63: {  	_ =	shalt  }
0x64: {  	_ =	shalt  }
0x65: {  	_ =	shalt  }
0x66: {  	_ =	shalt  }
0x67: {  	_ =	shalt  }
0x68: {  	_ =	shalt  }
0x69: {  	_ =	shalt  }
0x6a: {  	_ =	shalt  }
0x6b: {  	_ =	shalt  }
0x6c: {  	_ =	shalt  }
0x6d: {  	_ =	shalt  }
0x6e: {  	_ =	shalt  }
0x6f: {  	_ =	shalt  }
0x70: {  	_ =	shalt  }
0x71: {  	_ =	shalt  }
0x72: {  	_ =	shalt  }
0x73: {  	_ =	shalt  }
0x74: {  	_ =	shalt  }
0x75: {  	_ =	shalt  }
0x76: {  	_ =	shalt  }
0x77: {  	_ =	shalt  }
0x78: {  	_ =	shalt  }
0x79: {  	_ =	shalt  }
0x7a: {  	_ =	shalt  }
0x7b: {  	_ =	shalt  }
0x7c: {  	_ =	shalt  }
0x7d: {  	_ =	shalt  }
0x7e: {  	_ =	shalt  }
0x7f: {  	_ =	shalt  }
0x80: {  	_ =	shalt  }
0x81: {  	_ =	shalt  }
0x82: {  	_ =	shalt  }
0x83: {  	_ =	shalt  }
0x84: {  	_ =	shalt  }
0x85: {  	_ =	shalt  }
0x86: {  	_ =	shalt  }
0x87: {  	_ =	shalt  }
.Lfunc_end0:
.L_simem_size_0:
called_computation_lowered:
.L_overlay_start_0:
0x88: {  	s2 =	sld [smem:$0x3FD9]  }
0x89: {  	s3 =	sld [smem:$0x3FFE];
	_ =	sdelay $0x1  }
0x8a: {  	s1 =	srdreg.scid  }
0x8b: {  	s0 =	sand.u32 $0x1, s1  }
0x8c: {  	s17 =	sshll.u32 s0, $0xA;
	s2 =	sadd.s32 s3, s2  }
0x8d: {  	s2 =	sadd.s32 s2, s17  }
0x8e: {  	[smem:$0x3FC5] =	sst s2  }
0x8f: {  	_ = 	snop  }
0x90: {  	s2 =	sld [smem:$0x3FC9]  }
0x91: {  	s18 =	sld [smem:$0x3FD0];
	(tm) =	ssettm $0x1  }
0x92: {  	s4 =	sld [smem:$0x3FFB];
	_ =	sdelay $0x3  }
0x93: {  	_ =	strace s4  }
0x94: {  	s4 =	sld [smem:$0x3FFC];
	_ =	sdelay $0x3  }
0x95: {  	_ =	strace s4  }
0x96: {  	s4 =	sld [smem:$0x3FFD];
	_ =	sdelay $0x3  }
0x97: {  	_ =	strace s4  }
0x98: {  	_ =	strace $0x8FFFFFFF  }
0x99: {  	s19 =	sld [smem:$0x3FDB];
	_ =	sdelay $0x1  }
0x9a: {  	s5 =	simm.s32 $_scs_section_size  }
0x9b: {  	s6 =	simm.s32 $_size__tile_overlayer_lowered;
	s7 =	simm.s32 $_tile_overlayer_lowered  }
0x9c: {  	s22 =	simm.s32 $0x1BFF;
	s21 =	sshll.u32 s7, $0x1;
	s4 =	sadd.s32 s5, s19  }
0x9d: {  	s8 =	simm.s32 $0x0;
	s20 =	sshll.u32 s6, $0x1;
	s6 =	sadd.s32 s21, s4  }
0x9e: {  	[timem:s8], [sflag:s22] =	dma.local [hbm:s6], s20  }
0x9f: {  	_ =	swait.ge [sflag:s22], s20  }
0xa0: {  	s5 =	ssub.s32 $0x0, s20;
	[sflag:s22] =	ssyncset.done $0x0  }
0xa1: {  	[sflag:s22] =	ssyncadd.s32 s5;
	_ =	sdelay $0x1  }
0xa2: {  	s23 =	simm.s32 $0x1B8B  }
0xa3: {  	_ =	swait.ge [sflag:s23], $0x1  }
0xa4: {  	[sflag:s23] =	ssyncset.done $0x0  }
0xa5: {  	s25 =	simm.s32 $0x1B8E;
	s24 =	sld [smem:$0x3FFE];
	[sflag:s23] =	ssyncadd.s32 $0xFFFFFFFF  }
0xa6: {  	s26 =	simm.s32 $execute0_lowered;
	[smem:$0x3FD2] =	sst s25  }
0xa7: {  	s6 =	sshll.u32 s26, $0x1;
	_ =	strace $0x80000046;
	[dreg:$0x1] =	wrdreg $0xFFFFFFFF  }
0xa8: {  	s28 =	simm.s32 $_size_execute0_lowered;
	s4 =	sadd.s32 s4, s6;
	[dreg:$0x0] =	wrdreg $0x0  }
0xa9: {  	s6 =	sshll.u32 s28, $0x1;
	[dreg:$0x2] =	wrdreg s4  }
0xaa: {  	[dreg:$0x3] =	wrdreg s6  }
0xab: {  	[dreg:$0x4] =	wrdreg $0xC0  }
0xac: {  	_ =	task [dreg:s8], $0x5FFFF  }
0xad: {  	[dreg:$0x1] =	wrdreg $0xFFFFFFFF  }
0xae: {  	[dreg:$0x0] =	wrdreg $0x60  }
0xaf: {  	[dreg:$0x2] =	wrdreg s2  }
0xb0: {  	[dreg:$0x3] =	wrdreg s24  }
0xb1: {  	[dreg:$0x4] =	wrdreg s18  }
0xb2: {  	[dreg:$0x5] =	wrdreg $0x9  }
0xb3: {  	_ =	task.clear_ibuf [dreg:s8], $0x6FFFF;
	_ =	strace $0x90000046  }
0xb4: {  	s29 =	simm.s32 $0x9;
	_ =	strace $0x80000048  }
0xb5: {  	_ =	swait.ge [sflag:s29], $0x1  }
0xb6: {  	[sflag:s29] =	ssyncadd.s32 $0xFFFFFFFF  }
0xb7: {  	_ =	strace $0x90000048  }
0xb8: {  	_ =	sfence  }
0xb9: {  	s30 =	sld [smem:$0x0];
	_ =	sdelay $0x2  }
0xba: {  	s31 =	sshll.u32 s1, $0xD;
	s1 =	sshrl.u32 s1, $0x2  }
0xbb: {  	s3 =	sand.u32 $0x4000, s31;
	s1 =	sadd.s32 s1, s30  }
0xbc: {  	s0 =	sor.u32 s3, s0;
	s1 =	sshll.u32 s1, $0x11  }
0xbd: {  	s0 =	sor.u32 s1, s0  }
0xbe: {  	s0 =	sadd.s32 $0x8F2B, s0  }
0xbf: {  	[sflag:s0] =	ssyncadd.remote.s32 $0x1  }
0xc0: {  	_ =	sfence.sel $0xFFFF  }
0xc1: {  	[dreg:$0x0] =	wrdreg $0xFFFFFFFF;
	(pc) =	sbr.abs _section_cstart, $3  }
0xc2: {  	[dreg:$0x1] =	wrdreg $0xFFFFFFFF  }
0xc3: {  	_ =	task.clear_ibuf [dreg:s8], $0x2FFFF;
	_ =	strace $0x9FFFFFFF  }
0xc4: {  	(tm) =	ssettm $0x7FFFFFFF  }
0xc5: {  	_ =	shalt  }
tec
execute0_lowered:
.L_overlay_start_1:
0x0: {  	(tag) =	ssettag $0x1  }
0x1: {  	s0 =	rddreg [dreg:$0x0]  }
0x2: {  	s1 =	rddreg [dreg:$0x1]  }
0x3: {  	s10 =	rddreg [dreg:$0x2];
	s3 =	srdreg.scid  }
0x4: {  	s4 =	stileid.u32;
	s2 =	simm.s32 $0x0;
	s13 =	simm.s32 $0x200  }
0x5: {  	s15 =	simm.s32 $0x600;
	s16 =	simm.s32 $0x800;
	s17 =	simm.s32 $0xA00  }
0x6: {  	s18 =	simm.s32 $0xC00;
	s19 =	simm.s32 $0x1;
	s20 =	simm.s32 $0x2  }
0x7: {  	s21 =	simm.s32 $0x3;
	s22 =	simm.s32 $0x4;
	s23 =	simm.s32 $0x5  }
0x8: {  	s24 =	simm.s32 $0x6;
	s25 =	simm.s32 $0x10000;
	s26 =	simm.s32 $0xE00  }
0x9: {  	s28 =	simm.s32 $0x0;
	s3 =	sand.u32 $0x1, s3;
	s4 =	sshll.u32 s4, $0x1  }
0xa: {  	[smem:$0x7FF] =	sst s2;
	s7 =	sadd.s32 $0x967C, s1;
	s8 =	sadd.s32 $0xC750, s1  }
0xb: {  	s9 =	sadd.s32 $0xF824, s1;
	s5 =	ssub.s32 $0x2, s3;
	s11 =	sor.u32 s3, s4  }
0xc: {  	_ =	strace $0x80000047;
	s3 =	sadd.s32 $0x400, s1;
	s30 =	sshrl.u32 s5, $0x1  }
0xd: {  	s6 =	sshll.u32 s11, $0x6;
	s31 =	sshll.u32 s11, $0x8;
	s12 =	ssub.s32 s5, s30  }
0xe: {  	s4 =	sadd.s32 s0, s6;
	s5 =	sadd.s32 $0x34D4, s1;
	s6 =	sadd.s32 $0x65A8, s1  }
0xf: {  	v0 =	vimm.f32 $1.000000000e+00;
	v1 =	vimm.f32 $0.0e+00;
	s10 =	sadd.s32 s10, s31;
	s11 =	smax.u32 s12, $0x1;
	s12 =	simm.s32 $0x7  }
.LBB2_1:
0x10: {  	[tilespmem:s2], [sflag:$0x7] =	stream.linear.gather [hbm4b:s4+s2], $0x200, $0x38;
	[tilespmem:$0x2E00] =	vst v63  }
0x11: {  	_ =	swait.ge [sflag:s12], $0x200  }
0x12: {  	[sflag:s12] =	ssyncset.done $0x0  }
0x13: {  	[sflag:s12] =	ssyncadd.s32 $0xFFFFFE00  }
0x14: {  	[tilespmem:s13], [sflag:$0x1] =	stream.indirect.gather [hbm4b:s3+s13], $0x1, s2, s13, $0xb8;
	[tilespmem:$0x2E00] =	vst v63  }
0x15: {  	s0 =	simm.s32 $0x400  }
0x16: {  	[tilespmem:s0], [sflag:$0x2] =	stream.indirect.gather [hbm4b:s5+s13], $0x1, s2, s13, $0xb8;
	[tilespmem:$0x2E00] =	vst v63  }
0x17: {  	_ = 	snop  }
0x18: {  	[tilespmem:s15], [sflag:$0x3] =	stream.indirect.gather [hbm4b:s6+s13], $0x1, s2, s13, $0xb8;
	[tilespmem:$0x2E00] =	vst v63  }
0x19: {  	_ = 	snop  }
0x1a: {  	[tilespmem:s16], [sflag:$0x4] =	stream.indirect.gather [hbm4b:s7+s13], $0x1, s2, s13, $0xb8;
	[tilespmem:$0x2E00] =	vst v63  }
0x1b: {  	_ = 	snop  }
0x1c: {  	[tilespmem:s17], [sflag:$0x5] =	stream.indirect.gather [hbm4b:s8+s13], $0x1, s2, s13, $0xb8;
	[tilespmem:$0x2E00] =	vst v63  }
0x1d: {  	_ = 	snop  }
0x1e: {  	[tilespmem:s18], [sflag:$0x6] =	stream.indirect.gather [hbm4b:s9+s13], $0x1, s2, s13, $0xb8;
	[tilespmem:$0x2E00] =	vst v63  }
0x1f: {  	_ =	swait.ge [sflag:s19], $0x200  }
0x20: {  	[sflag:s19] =	ssyncset.done $0x0  }
0x21: {  	[sflag:s19] =	ssyncadd.s32 $0xFFFFFE00  }
0x22: {  	_ =	swait.ge [sflag:s20], $0x200  }
0x23: {  	[sflag:s20] =	ssyncset.done $0x0  }
0x24: {  	[sflag:s20] =	ssyncadd.s32 $0xFFFFFE00  }
0x25: {  	_ =	swait.ge [sflag:s21], $0x200  }
0x26: {  	[sflag:s21] =	ssyncset.done $0x0  }
0x27: {  	[sflag:s21] =	ssyncadd.s32 $0xFFFFFE00  }
0x28: {  	_ =	swait.ge [sflag:s22], $0x200  }
0x29: {  	[sflag:s22] =	ssyncset.done $0x0  }
0x2a: {  	[sflag:s22] =	ssyncadd.s32 $0xFFFFFE00  }
0x2b: {  	_ =	swait.ge [sflag:s23], $0x200  }
0x2c: {  	[sflag:s23] =	ssyncset.done $0x0  }
0x2d: {  	[sflag:s23] =	ssyncadd.s32 $0xFFFFFE00  }
0x2e: {  	_ =	swait.ge [sflag:s24], $0x200  }
0x2f: {  	[sflag:s24] =	ssyncset.done $0x0  }
0x30: {  	s31 =	simm.s32 $0x0;
	[sflag:s24] =	ssyncadd.s32 $0xFFFFFE00  }
0x31: {  	v8 =	vld [tilespmem:s31+$0x200]  }
0x32: {  	v9 =	vld [tilespmem:s31+$0x400];
	_ =	sdelay $0x1  }
0x33: {  	v10 =	vld [tilespmem:s31+$0x600];
	_ =	sdelay $0x1  }
0x34: {  	v2 =	vld [tilespmem:s31+$0x800]  }
0x35: {  	[tilespmem:s31+$0x2600] =	vst v1;
	v3 =	vld [tilespmem:s31+$0xA00];
	v5 =	vmul.f32 v8, v8;
	v6 =	vmul.f32 v9, v9  }
0x36: {  	[tilespmem:s31+$0x2680] =	vst v1;
	v4 =	vld [tilespmem:s31+$0xC00]  }
0x37: {  	[tilespmem:s31+$0x2700] =	vst v1;
	v5 =	vadd.f32 v6, v5;
	v6 =	vmul.f32 v10, v10  }
0x38: {  	[tilespmem:s31+$0x2780] =	vst v0  }
0x39: {  	[tilespmem:s31+$0xF80] =	vst v2;
	v6 =	vadd.f32 v6, v5  }
0x3a: {  	[tilespmem:s31+$0x1780] =	vst v3  }
0x3b: {  	s29 =	simm.s32 $0x10;
	[tilespmem:s31+$0x1F80] =	vst v4;
	v3 =	vmul.f32 $2.755732000e-07, v6  }
0x3c: {  	v2 =	vld [tilespmem:s29+$0x200]  }
0x3d: {  	v4 =	vld [tilespmem:s29+$0x400];
	v5 =	vmul.f32 $2.755731880e-06, v6;
	v3 =	vadd.f32 $-2.480158760e-05, v3;
	_ =	sdelay $0x1  }
0x3e: {  	v11 =	vadd.f32 $-1.984127010e-04, v5;
	v5 =	vld [tilespmem:s29+$0x600];
	v3 =	vmul.f32 v3, v6;
	_ =	sdelay $0x1  }
0x3f: {  	v14 =	vmul.f32 v2, v2;
	v3 =	vadd.f32 $1.388888920e-03, v3  }
0x40: {  	v7 =	vld [tilespmem:s29+$0x800];
	v15 =	vmul.f32 v4, v4;
	v11 =	vmul.f32 v11, v6  }
0x41: {  	v12 =	vld [tilespmem:s29+$0xA00];
	v3 =	vmul.f32 v3, v6  }
0x42: {  	v14 =	vadd.f32 v15, v14;
	v11 =	vadd.f32 $8.333333770e-03, v11;
	v15 =	vmul.f32 v5, v5  }
0x43: {  	v3 =	vadd.f32 $-4.166666790e-02, v3  }
0x44: {  	v13 =	vld [tilespmem:s29+$0xC00];
	v11 =	vmul.f32 v11, v6;
	v15 =	vadd.f32 v15, v14  }
0x45: {  	[tilespmem:s29+$0xF80] =	vst v7;
	v3 =	vmul.f32 v3, v6  }
0x46: {  	[tilespmem:s29+$0x1780] =	vst v12;
	v7 =	vadd.f32 $-1.666666720e-01, v11;
	v12 =	vmul.f32 $2.755732000e-07, v15  }
0x47: {  	[tilespmem:s29+$0x2600] =	vst v1;
	v11 =	vadd.f32 $5.000000000e-01, v3  }
0x48: {  	[tilespmem:s29+$0x2680] =	vst v1;
	v17 =	vmul.f32 $2.755731880e-06, v15;
	v7 =	vmul.f32 v7, v6;
	v12 =	vadd.f32 $-2.480158760e-05, v12  }
0x49: {  	[tilespmem:s29+$0x1F80] =	vst v13;
	v13 =	vmul.f32 v11, v10;
	v14 =	vmul.f32 v11, v6  }
0x4a: {  	[tilespmem:s29+$0x2700] =	vst v1;
	v17 =	vadd.f32 $-1.984127010e-04, v17;
	v20 =	vadd.f32 $1.000000000e+00, v7;
	v12 =	vmul.f32 v12, v15  }
0x4b: {  	s30 =	simm.s32 $0x20;
	[tilespmem:s29+$0x2780] =	vst v0;
	v16 =	vmul.f32 v11, v9;
	v14 =	vsub.f32 $1.000000000e+00, v14;
	v18 =	vmul.f32 v13, v10  }
0x4c: {  	[tilespmem:s30+$0x2600] =	vst v1;
	v3 =	vld [tilespmem:s30+$0x200];
	v17 =	vmul.f32 v17, v15;
	v11 =	vmul.f32 v11, v8  }
0x4d: {  	[tilespmem:s30+$0x2680] =	vst v1;
	v6 =	vld [tilespmem:s30+$0x400];
	v22 =	vmul.f32 v20, v10;
	v21 =	vmul.f32 v16, v9;
	v18 =	vadd.f32 v18, v14  }
0x4e: {  	v19 =	vld [tilespmem:s30+$0x800];
	[tilespmem:s30+$0x2700] =	vst v1;
	v12 =	vadd.f32 $1.388888920e-03, v12;
	v17 =	vadd.f32 $8.333333770e-03, v17;
	v23 =	vmul.f32 v11, v9  }
0x4f: {  	v7 =	vld [tilespmem:s30+$0x600];
	v24 =	vmul.f32 v11, v10;
	v21 =	vadd.f32 v21, v14;
	[tilespmem:s31+$0x1F00] =	vst v18;
	v18 =	vmul.f32 v20, v9  }
0x50: {  	v11 =	vmul.f32 v11, v8;
	v17 =	vmul.f32 v17, v15;
	v23 =	vsub.f32 v23, v22  }
0x51: {  	v10 =	vmul.f32 v16, v10;
	v12 =	vmul.f32 v12, v15;
	v25 =	vld [tilespmem:s30+$0xA00];
	[tilespmem:s31+$0x1680] =	vst v21;
	v24 =	vadd.f32 v24, v18  }
0x52: {  	v61 =	vmul.f32 v3, v3;
	v27 =	vmul.f32 v6, v6;
	v17 =	vadd.f32 $-1.666666720e-01, v17;
	v26 =	vld [tilespmem:s30+$0xC00];
	[tilespmem:s31+$0xE80] =	vst v23  }
0x53: {  	v11 =	vadd.f32 v11, v14;
	v12 =	vadd.f32 $-4.166666790e-02, v12;
	v20 =	vmul.f32 v20, v8;
	[tilespmem:s31+$0xF00] =	vst v24  }
0x54: {  	v62 =	vmul.f32 v7, v7;
	v14 =	vadd.f32 v27, v61;
	v17 =	vmul.f32 v17, v15;
	[tilespmem:s30+$0xF80] =	vst v19  }
0x55: {  	v9 =	vmul.f32 v13, v9;
	v19 =	vmul.f32 v12, v15;
	v12 =	vsub.f32 v10, v20;
	[tilespmem:s31+$0xE00] =	vst v11  }
0x56: {  	v13 =	vmul.f32 v13, v8;
	v10 =	vadd.f32 $1.000000000e+00, v17;
	v11 =	vadd.f32 v62, v14;
	[tilespmem:s30+$0x1780] =	vst v25  }
0x57: {  	v17 =	vadd.f32 v9, v20;
	v14 =	vmul.f32 v16, v8;
	v19 =	vadd.f32 $5.000000000e-01, v19;
	[tilespmem:s30+$0x1F80] =	vst v26  }
0x58: {  	v18 =	vsub.f32 v13, v18;
	[tilespmem:s30+$0x2780] =	vst v0;
	v63 =	vmul.f32 $2.755732000e-07, v11;
	v16 =	vmul.f32 $2.755731880e-06, v11  }
0x59: {  	v14 =	vadd.f32 v14, v22;
	[tilespmem:s31+$0x1E80] =	vst v17;
	v8 =	vmul.f32 v19, v4;
	v9 =	vmul.f32 v19, v5  }
0x5a: {  	s0 =	simm.s32 $0xC0;
	[tilespmem:s31+$0x1E00] =	vst v18;
	v13 =	vmul.f32 v19, v2;
	v15 =	vmul.f32 v19, v15;
	v17 =	vadd.f32 $-2.480158760e-05, v63  }
.LBB2_2:
0x5b: {  	s1 =	sshra.s32 s0, $0x2;
	p0 =	sne.s32 s0, $0x1C0;
	s0 =	sadd.s32 $0x40, s0;
	v16 =	vadd.f32 $-1.984127010e-04, v16;
	v18 =	vmul.f32 v10, v4;
	v19 =	vmul.f32 v10, v5;
	[tilespmem:s31+$0x1600] =	vst v14;
	v20 =	vmovc v11  }
0x5c: {  	v14 =	vld [tilespmem:s1+$0x200];
	[tilespmem:s1+$0x2600] =	vst v1;
	v11 =	vmul.f32 v17, v20;
	v15 =	vsub.f32 $1.000000000e+00, v15;
	v17 =	vmul.f32 v9, v5  }
0x5d: {  	v22 =	vmul.f32 v8, v4;
	v21 =	vld [tilespmem:s1+$0x400];
	v16 =	vmul.f32 v16, v20;
	[tilespmem:s31+$0x1700] =	vst v12;
	s31 =	smov.u32 s29;
	s29 =	smov.u32 s30;
	s30 =	smov.u32 s1  }
0x5e: {  	v23 =	vmul.f32 v13, v4;
	v12 =	vld [tilespmem:s30+$0x800];
	[tilespmem:s30+$0x2680] =	vst v1;
	v11 =	vadd.f32 $1.388888920e-03, v11;
	v17 =	vadd.f32 v17, v15  }
0x5f: {  	v25 =	vmul.f32 v13, v5;
	v22 =	vadd.f32 v22, v15;
	v24 =	vld [tilespmem:s30+$0x600];
	[tilespmem:s30+$0x2700] =	vst v1;
	v16 =	vadd.f32 $8.333333770e-03, v16  }
0x60: {  	v13 =	vmul.f32 v13, v2;
	v23 =	vsub.f32 v23, v19;
	v11 =	vmul.f32 v11, v20;
	[tilespmem:s31+$0x1F00] =	vst v17  }
0x61: {  	v25 =	vadd.f32 v25, v18;
	v17 =	vld [tilespmem:s30+$0xA00];
	v26 =	vmul.f32 v14, v14;
	v16 =	vmul.f32 v16, v20;
	[tilespmem:s31+$0x1680] =	vst v22  }
0x62: {  	v28 =	vmul.f32 v8, v5;
	v5 =	vmovc v7;
	v22 =	vld [tilespmem:s30+$0xC00];
	v27 =	vmul.f32 v21, v21;
	v11 =	vadd.f32 $-4.166666790e-02, v11;
	[tilespmem:s31+$0xE80] =	vst v23  }
0x63: {  	v7 =	vadd.f32 $-1.666666720e-01, v16;
	v16 =	vmul.f32 v10, v2;
	v10 =	vadd.f32 v13, v15;
	[tilespmem:s31+$0xF00] =	vst v25  }
0x64: {  	v13 =	vadd.f32 v27, v26;
	v15 =	vmul.f32 v24, v24;
	[tilespmem:s30+$0xF80] =	vst v12;
	v23 =	vmul.f32 v11, v20  }
0x65: {  	v25 =	vmul.f32 v9, v4;
	v7 =	vmul.f32 v7, v20;
	v12 =	vsub.f32 v28, v16;
	[tilespmem:s31+$0xE00] =	vst v10  }
.Ltmp0:
0x66: {  	v9 =	vmul.f32 v9, v2;
	v4 =	vmovc v6;
	v11 =	vadd.f32 v15, v13;
	[tilespmem:s30+$0x1780] =	vst v17;
	v15 =	vadd.f32 $5.000000000e-01, v23;
	(pc) =	sbr.rel @p0 .LBB2_2-.Ltmp0, $4  }
0x67: {  	v17 =	vmul.f32 v8, v2;
	v2 =	vmovc v3;
	[tilespmem:s30+$0x1F80] =	vst v22;
	v10 =	vadd.f32 $1.000000000e+00, v7;
	v22 =	vadd.f32 v25, v16  }
0x68: {  	v18 =	vsub.f32 v9, v18;
	v3 =	vmovc v14;
	v13 =	vmul.f32 $2.755732000e-07, v11;
	[tilespmem:s30+$0x2780] =	vst v0;
	v8 =	vmul.f32 v15, v4  }
0x69: {  	v6 =	vmovc v21;
	v16 =	vmul.f32 $2.755731880e-06, v11;
	v9 =	vmul.f32 v15, v5;
	v14 =	vadd.f32 v17, v19;
	[tilespmem:s31+$0x1E80] =	vst v22  }
0x6a: {  	v7 =	vmovc v24;
	v17 =	vadd.f32 $-2.480158760e-05, v13;
	v13 =	vmul.f32 v15, v2;
	v15 =	vmul.f32 v15, v20;
	[tilespmem:s31+$0x1E00] =	vst v18  }
0x6b: {  	_ = 	snop  }
0x6c: {  	v17 =	vmul.f32 v17, v11  }
0x6d: {  	v16 =	vadd.f32 $-1.984127010e-04, v16;
	v18 =	vmul.f32 v10, v4  }
0x6e: {  	v19 =	vmul.f32 v10, v5;
	v20 =	vmul.f32 v9, v5;
	v17 =	vadd.f32 $1.388888920e-03, v17  }
0x6f: {  	v21 =	vmul.f32 v8, v4;
	v16 =	vmul.f32 v16, v11  }
0x70: {  	v50 =	vmul.f32 v10, v2;
	v17 =	vmul.f32 v17, v11  }
0x71: {  	v52 =	vmul.f32 v9, v2;
	v15 =	vsub.f32 $1.000000000e+00, v15;
	v16 =	vadd.f32 $8.333333770e-03, v16  }
0x72: {  	v22 =	vmul.f32 v13, v4;
	v23 =	vmul.f32 v13, v5;
	v17 =	vadd.f32 $-4.166666790e-02, v17  }
0x73: {  	[tilespmem:s31+$0x1600] =	vst v14;
	v4 =	vmul.f32 v9, v4;
	v9 =	vsub.f32 v52, v18;
	v16 =	vmul.f32 v16, v11  }
0x74: {  	[tilespmem:s31+$0x1700] =	vst v12;
	v47 =	vmul.f32 v13, v2;
	v20 =	vadd.f32 v20, v15;
	v17 =	vmul.f32 v17, v11  }
0x75: {  	v5 =	vmul.f32 v8, v5;
	v46 =	vadd.f32 v21, v15;
	[tilespmem:s29+$0x1E00] =	vst v9;
	v16 =	vadd.f32 $-1.666666720e-01, v16  }
0x76: {  	v2 =	vmul.f32 v8, v2;
	v48 =	vsub.f32 v22, v19;
	[tilespmem:s29+$0x1F00] =	vst v20;
	v51 =	vadd.f32 $5.000000000e-01, v17  }
0x77: {  	v49 =	vadd.f32 v23, v18;
	v13 =	vadd.f32 v47, v15;
	[tilespmem:s29+$0x1680] =	vst v46;
	v16 =	vmul.f32 v16, v11  }
0x78: {  	v4 =	vadd.f32 v4, v50;
	[tilespmem:s29+$0xE80] =	vst v48;
	v54 =	vmul.f32 v51, v7;
	v55 =	vmul.f32 v51, v11  }
0x79: {  	v2 =	vadd.f32 v2, v19;
	[tilespmem:s29+$0xF00] =	vst v49;
	v53 =	vadd.f32 $1.000000000e+00, v16;
	v56 =	vmul.f32 v51, v6  }
0x7a: {  	[tilespmem:s29+$0x1E80] =	vst v4;
	v4 =	vmul.f32 v51, v3;
	v11 =	vsub.f32 $1.000000000e+00, v55;
	v57 =	vmul.f32 v54, v7  }
0x7b: {  	v5 =	vsub.f32 v5, v50;
	[tilespmem:s29+$0xE00] =	vst v13;
	v58 =	vmul.f32 v56, v6  }
0x7c: {  	[tilespmem:s29+$0x1600] =	vst v2;
	v59 =	vmul.f32 v53, v7;
	v2 =	vmul.f32 v4, v6;
	v14 =	vadd.f32 v57, v11  }
0x7d: {  	[tilespmem:s29+$0x1700] =	vst v5;
	v60 =	vmul.f32 v53, v6;
	v5 =	vmul.f32 v4, v7;
	v9 =	vadd.f32 v58, v11  }
0x7e: {  	v4 =	vmul.f32 v4, v3;
	v2 =	vsub.f32 v2, v59;
	[tilespmem:s30+$0x1F00] =	vst v14  }
0x7f: {  	v61 =	vmul.f32 v53, v3;
	v62 =	vmul.f32 v54, v6;
	v5 =	vadd.f32 v5, v60;
	[tilespmem:s30+$0x1680] =	vst v9  }
0x80: {  	[tilespmem:s30+$0xE80] =	vst v2;
	v2 =	vadd.f32 v4, v11;
	v4 =	vmul.f32 v54, v3  }
0x81: {  	[tilespmem:s30+$0xF00] =	vst v5;
	v3 =	vmul.f32 v56, v3;
	v5 =	vadd.f32 v62, v61  }
0x82: {  	p1 =	por $0x1, $0x1;
	v63 =	vmul.f32 v56, v7;
	[tilespmem:s30+$0xE00] =	vst v2;
	v2 =	vsub.f32 v4, v60  }
.Ltmp1:
0x83: {  	v3 =	vadd.f32 v3, v59;
	[tilespmem:s30+$0x1E80] =	vst v5;
	(pc) =	sbr.rel @!p1 .LBB2_4-.Ltmp1, $4  }
0x84: {  	v4 =	vsub.f32 v63, v61;
	[tilespmem:s30+$0x1E00] =	vst v2  }
0x85: {  	[tilespmem:s30+$0x1600] =	vst v3  }
0x86: {  	s0 =	simm.s32 $0x0;
	[tilespmem:s30+$0x1700] =	vst v4  }
0x87: {  	p2 =	por $0x0, $0x0;
	p3 =	por $0x0, $0x0;
	p0 =	por $0x0, $0x0;
	v3 =	vld [tilespmem:s0+$0x280]  }
0x88: {  	v4 =	vld [tilespmem:s0+$0x480];
	_ =	sdelay $0x1  }
0x89: {  	v5 =	vld [tilespmem:s0+$0x680];
	_ =	sdelay $0x2  }
0x8a: {  	v7 =	vmul.f32 v3, v3;
	v8 =	vmul.f32 v4, v4  }
0x8b: {  	v2 =	vld [tilespmem:s0+$0x880]  }
0x8c: {  	v63 =	vmul.f32 v5, v5;
	v7 =	vadd.f32 v8, v7  }
0x8d: {  	v6 =	vld [tilespmem:s0+$0xA80];
	[tilespmem:s0+$0x2800] =	vst v1  }
0x8e: {  	v9 =	vld [tilespmem:s0+$0xC80];
	[tilespmem:s0+$0x2880] =	vst v1;
	v16 =	vadd.f32 v63, v7  }
0x8f: {  	[tilespmem:s0+$0x2900] =	vst v1  }
0x90: {  	[tilespmem:s0+$0x1180] =	vst v2;
	v2 =	vmul.f32 $2.755731880e-06, v16  }
0x91: {  	[tilespmem:s0+$0x2980] =	vst v0  }
0x92: {  	p4 =	por $0x1, $0x1;
	[tilespmem:s0+$0x1980] =	vst v6;
	v2 =	vadd.f32 $-1.984127010e-04, v2  }
.Ltmp2:
0x93: {  	s1 =	simm.s32 $0x10;
	[tilespmem:s0+$0x2180] =	vst v9;
	v6 =	vmul.f32 $2.755732000e-07, v16;
	(pc) =	sbr.rel @!p4 .LBB2_6-.Ltmp2, $3  }
0x94: {  	v23 =	vmul.f32 v2, v16;
	v2 =	vld [tilespmem:s1+$0x280]  }
0x95: {  	v6 =	vadd.f32 $-2.480158760e-05, v6;
	_ =	sdelay $0x1  }
0x96: {  	p2 =	por $0x1, $0x1;
	v25 =	vmul.f32 v6, v16  }
0x97: {  	_ = 	snop  }
0x98: {  	v6 =	vld [tilespmem:s1+$0x480];
	v7 =	vadd.f32 $1.388888920e-03, v25;
	_ =	sdelay $0x1  }
0x99: {  	v11 =	vld [tilespmem:s1+$0x680];
	v7 =	vmul.f32 v7, v16  }
0x9a: {  	v8 =	vadd.f32 $8.333333770e-03, v23  }
0x9b: {  	v12 =	vmul.f32 v2, v2;
	v7 =	vadd.f32 $-4.166666790e-02, v7  }
0x9c: {  	v9 =	vld [tilespmem:s1+$0x880];
	v8 =	vmul.f32 v8, v16;
	v13 =	vmul.f32 v6, v6  }
0x9d: {  	v10 =	vld [tilespmem:s1+$0xA80];
	v7 =	vmul.f32 v7, v16  }
0x9e: {  	v8 =	vadd.f32 $-1.666666720e-01, v8;
	v12 =	vadd.f32 v13, v12;
	v13 =	vmul.f32 v11, v11  }
0x9f: {  	[tilespmem:s1+$0x2800] =	vst v1;
	v14 =	vld [tilespmem:s1+$0xC80];
	v15 =	vadd.f32 $5.000000000e-01, v7  }
0xa0: {  	[tilespmem:s1+$0x2880] =	vst v1;
	v18 =	vmul.f32 v8, v16;
	v17 =	vadd.f32 v13, v12  }
0xa1: {  	[tilespmem:s1+$0x1180] =	vst v9;
	v7 =	vmul.f32 v15, v5;
	v8 =	vmul.f32 v15, v16  }
0xa2: {  	p4 =	por $0x1, $0x1;
	[tilespmem:s1+$0x1980] =	vst v10;
	v9 =	vmul.f32 $2.755731880e-06, v17;
	v10 =	vmul.f32 $2.755732000e-07, v17  }
.Ltmp3:
0xa3: {  	[tilespmem:s1+$0x2900] =	vst v1;
	v12 =	vmul.f32 v15, v3;
	v8 =	vsub.f32 $1.000000000e+00, v8;
	v13 =	vmul.f32 v7, v5;
	(pc) =	sbr.rel @!p4 .LBB2_8-.Ltmp3, $4  }
0xa4: {  	[tilespmem:s1+$0x2180] =	vst v14;
	v14 =	vadd.f32 $-1.984127010e-04, v9;
	v16 =	vadd.f32 $-2.480158760e-05, v10;
	v9 =	vmul.f32 v15, v4  }
0xa5: {  	s30 =	simm.s32 $0x20;
	[tilespmem:s1+$0x2980] =	vst v0;
	v15 =	vmul.f32 v12, v3;
	v10 =	vmul.f32 v12, v4;
	v20 =	vadd.f32 v13, v8  }
0xa6: {  	v19 =	vld [tilespmem:s30+$0x280];
	v13 =	vadd.f32 $1.000000000e+00, v18;
	v23 =	vmul.f32 v14, v17;
	v25 =	vmul.f32 v16, v17  }
0xa7: {  	p3 =	por $0x1, $0x1;
	v15 =	vadd.f32 v15, v8;
	v14 =	vmul.f32 v12, v5;
	v12 =	vmul.f32 v9, v3;
	[tilespmem:s0+$0x2100] =	vst v20  }
0xa8: {  	v22 =	vld [tilespmem:s30+$0x480];
	v18 =	vmul.f32 v9, v4  }
0xa9: {  	v16 =	vld [tilespmem:s30+$0x880];
	v21 =	vadd.f32 $1.388888920e-03, v25;
	[tilespmem:s0+$0x1000] =	vst v15  }
0xaa: {  	v25 =	vmul.f32 v9, v5;
	v20 =	vld [tilespmem:s30+$0x680];
	v18 =	vadd.f32 v18, v8  }
0xab: {  	v23 =	vadd.f32 $8.333333770e-03, v23;
	v28 =	vmul.f32 v13, v3;
	v24 =	vld [tilespmem:s30+$0xA80];
	[tilespmem:s30+$0x2800] =	vst v1;
	v21 =	vmul.f32 v21, v17  }
0xac: {  	v27 =	vmul.f32 v7, v3;
	v29 =	vmul.f32 v13, v4;
	v26 =	vld [tilespmem:s30+$0xC80];
	[tilespmem:s0+$0x1880] =	vst v18  }
0xad: {  	v18 =	vmul.f32 v23, v17;
	v21 =	vadd.f32 $-4.166666790e-02, v21;
	v23 =	vsub.f32 v25, v28;
	[tilespmem:s30+$0x2880] =	vst v1  }
0xae: {  	v25 =	vmul.f32 v19, v19;
	v30 =	vmul.f32 v22, v22;
	[tilespmem:s30+$0x1180] =	vst v16;
	v16 =	vadd.f32 v14, v29  }
0xaf: {  	v31 =	vmul.f32 v13, v5;
	v21 =	vmul.f32 v21, v17;
	[tilespmem:s0+$0x1900] =	vst v23  }
0xb0: {  	v18 =	vadd.f32 $-1.666666720e-01, v18;
	v23 =	vadd.f32 v30, v25;
	v25 =	vmul.f32 v20, v20;
	[tilespmem:s0+$0x1100] =	vst v16  }
0xb1: {  	v30 =	vmul.f32 v7, v4;
	v21 =	vadd.f32 $5.000000000e-01, v21;
	[tilespmem:s30+$0x1980] =	vst v24;
	v24 =	vsub.f32 v10, v31  }
0xb2: {  	v32 =	vmul.f32 v18, v17;
	[tilespmem:s30+$0x2180] =	vst v26;
	v26 =	vsub.f32 v27, v29;
	v16 =	vadd.f32 v25, v23  }
0xb3: {  	v23 =	vadd.f32 v12, v31;
	v18 =	vmul.f32 v21, v11;
	v25 =	vmul.f32 v21, v17  }
0xb4: {  	p5 =	por $0x1, $0x1;
	v28 =	vadd.f32 v30, v28;
	[tilespmem:s0+$0x1080] =	vst v24;
	v24 =	vmul.f32 $2.755731880e-06, v16;
	v29 =	vmul.f32 $2.755732000e-07, v16  }
.Ltmp4:
0xb5: {  	v31 =	vmul.f32 v21, v2;
	[tilespmem:s0+$0x1800] =	vst v23;
	v27 =	vsub.f32 $1.000000000e+00, v25;
	v23 =	vmul.f32 v18, v11;
	(pc) =	sbr.rel @!p5 .LBB2_10-.Ltmp4, $4  }
0xb6: {  	[tilespmem:s0+$0x2000] =	vst v26;
	v26 =	vmul.f32 v21, v6;
	v24 =	vadd.f32 $-1.984127010e-04, v24;
	v25 =	vadd.f32 $-2.480158760e-05, v29  }
0xb7: {  	[tilespmem:s30+$0x2900] =	vst v1;
	v21 =	vmul.f32 v31, v6;
	v29 =	vmul.f32 v31, v2;
	v33 =	vadd.f32 v23, v27  }
0xb8: {  	s31 =	simm.s32 $0x30;
	v17 =	vadd.f32 $1.000000000e+00, v32;
	[tilespmem:s30+$0x2980] =	vst v0;
	v23 =	vmul.f32 v24, v16;
	v25 =	vmul.f32 v25, v16  }
0xb9: {  	s14 =	simm.s32 $0x100;
	p4 =	por $0x1, $0x1;
	s29 =	simm.s32 $0x0;
	v35 =	vld [tilespmem:s31+$0x280];
	v32 =	vadd.f32 v29, v27;
	v29 =	vmul.f32 v31, v11;
	v24 =	vmul.f32 v26, v2;
	[tilespmem:s1+$0x2100] =	vst v33  }
.LBB2_11:
0xba: {  	p5 =	sne.s32 s14, $0x1C0;
	v30 =	vld [tilespmem:s31+$0x480];
	v23 =	vadd.f32 $8.333333770e-03, v23;
	v25 =	vadd.f32 $1.388888920e-03, v25;
	v31 =	vmul.f32 v26, v6  }
0xbb: {  	v26 =	vmul.f32 v26, v11;
	v34 =	vmul.f32 v18, v2;
	v33 =	vld [tilespmem:s31+$0x880];
	[tilespmem:s1+$0x1000] =	vst v32  }
0xbc: {  	v32 =	vld [tilespmem:s31+$0x680];
	v23 =	vmul.f32 v23, v16;
	v25 =	vmul.f32 v25, v16;
	v27 =	vadd.f32 v31, v27;
	[tilespmem:s29+$0x2080] =	vst v28;
	s29 =	smov.u32 s1;
	s1 =	smov.u32 s30;
	s30 =	smov.u32 s31  }
0xbd: {  	v36 =	vmul.f32 v18, v6;
	v31 =	vmul.f32 v17, v2;
	v2 =	vmov v19;
	v28 =	vld [tilespmem:s30+$0xA80];
	[tilespmem:s30+$0x2800] =	vst v1  }
0xbe: {  	v37 =	vmul.f32 v17, v6;
	v6 =	vmovc v22;
	v18 =	vld [tilespmem:s30+$0xC80];
	v23 =	vadd.f32 $-1.666666720e-01, v23;
	v25 =	vadd.f32 $-4.166666790e-02, v25;
	[tilespmem:s29+$0x1880] =	vst v27;
	v19 =	vmovc v35  }
0xbf: {  	v26 =	vsub.f32 v26, v31;
	v38 =	vmul.f32 v35, v19;
	v27 =	vmul.f32 v30, v30;
	[tilespmem:s30+$0x2880] =	vst v1  }
0xc0: {  	v29 =	vadd.f32 v29, v37;
	[tilespmem:s30+$0x1180] =	vst v33;
	v23 =	vmul.f32 v23, v16;
	v25 =	vmul.f32 v25, v16  }
0xc1: {  	v35 =	vmul.f32 v17, v11;
	v27 =	vadd.f32 v27, v38;
	v33 =	vmul.f32 v32, v32;
	[tilespmem:s29+$0x1900] =	vst v26  }
0xc2: {  	v22 =	vmovc v30;
	v11 =	vmovc v20;
	v20 =	vmov v32;
	v17 =	vadd.f32 $1.000000000e+00, v23;
	v23 =	vadd.f32 $5.000000000e-01, v25;
	[tilespmem:s29+$0x1100] =	vst v29  }
0xc3: {  	v21 =	vsub.f32 v21, v35;
	v25 =	vadd.f32 v33, v27;
	[tilespmem:s30+$0x1980] =	vst v28  }
0xc4: {  	v24 =	vadd.f32 v24, v35;
	[tilespmem:s30+$0x2180] =	vst v18;
	v18 =	vmul.f32 v23, v11;
	v26 =	vmul.f32 v23, v16  }
0xc5: {  	v30 =	vsub.f32 v34, v37;
	v28 =	vmul.f32 $2.755731880e-06, v25;
	v29 =	vmul.f32 $2.755732000e-07, v25;
	[tilespmem:s29+$0x1080] =	vst v21;
	v16 =	vmovc v25  }
.Ltmp5:
0xc6: {  	v33 =	vmul.f32 v23, v2;
	v27 =	vsub.f32 $1.000000000e+00, v26;
	v25 =	vmul.f32 v18, v11;
	[tilespmem:s29+$0x1800] =	vst v24;
	(pc) =	sbr.rel @p5 .LBB2_11-.Ltmp5, $4  }
0xc7: {  	v26 =	vmul.f32 v23, v6;
	v24 =	vadd.f32 $-1.984127010e-04, v28;
	v28 =	vadd.f32 $-2.480158760e-05, v29;
	[tilespmem:s29+$0x2000] =	vst v30  }
0xc8: {  	v21 =	vmul.f32 v33, v6;
	v29 =	vmul.f32 v33, v2;
	[tilespmem:s30+$0x2900] =	vst v1;
	v30 =	vadd.f32 v25, v27  }
0xc9: {  	s31 =	sshra.s32 s14, $0x2;
	v23 =	vmul.f32 v24, v16;
	v25 =	vmul.f32 v28, v16;
	[tilespmem:s30+$0x2980] =	vst v0;
	v28 =	vadd.f32 v36, v31  }
0xca: {  	s14 =	sadd.s32 $0x40, s14;
	v32 =	vadd.f32 v29, v27;
	v29 =	vmul.f32 v33, v11;
	v24 =	vmul.f32 v26, v2;
	v35 =	vld [tilespmem:s31+$0x280];
	[tilespmem:s1+$0x2100] =	vst v30  }
0xcb: {  	_ =	sdelay $0x2  }
0xcc: {  	v30 =	vmov v6;
	v33 =	vmov v11  }
0xcd: {  	v34 =	vmovc v2;
	s14 =	smov.u32 s1;
	s1 =	smov.u32 s30;
	v31 =	vmovc v19;
	v6 =	vmov v22;
	v11 =	vmov v20;
	v2 =	vmov v35  }
.LBB2_13:
0xce: {  	v19 =	vld [tilespmem:s31+$0x480]  }
0xcf: {  	v22 =	vadd.f32 @p2 $8.333333770e-03, v23;
	v41 =	vld [tilespmem:s31+$0x880];
	v35 =	vmul.f32 @p3 v26, v30;
	[tilespmem:s14+$0x1000] =	vst @p3 v32  }
0xd0: {  	v23 =	vadd.f32 @p2 $1.388888920e-03, v25;
	v26 =	vmul.f32 @p3 v26, v33;
	v32 =	vmul.f32 @p3 v17, v34;
	v20 =	vld [tilespmem:s31+$0x680]  }
0xd1: {  	v36 =	vmul.f32 v2, v2;
	v4 =	vpsel p2, v6, v4;
	v5 =	vpsel p2, v11, v5  }
0xd2: {  	v22 =	vmul.f32 @p2 v22, v16;
	v23 =	vmul.f32 @p2 v23, v16;
	v27 =	vadd.f32 @p3 v35, v27  }
0xd3: {  	v35 =	vmul.f32 @p3 v17, v30;
	v26 =	vsub.f32 @p3 v26, v32;
	v37 =	vmul.f32 v19, v19  }
0xd4: {  	v17 =	vmul.f32 @p3 v17, v33;
	v33 =	vmul.f32 @p3 v18, v34;
	v23 =	vadd.f32 @p2 $-4.166666790e-02, v23  }
0xd5: {  	v22 =	vadd.f32 @p2 $-1.666666720e-01, v22;
	v42 =	vmul.f32 v20, v20;
	v36 =	vadd.f32 v37, v36  }
0xd6: {  	v29 =	vadd.f32 @p3 v29, v35;
	v21 =	vsub.f32 @p3 v21, v17;
	v23 =	vmul.f32 @p2 v23, v16  }
0xd7: {  	[tilespmem:s29+$0x2080] =	vst @p4 v28;
	v18 =	vmul.f32 @p3 v18, v30;
	v17 =	vadd.f32 @p3 v24, v17;
	v43 =	vadd.f32 v42, v36  }
0xd8: {  	v28 =	vld [tilespmem:s31+$0xA80];
	[tilespmem:s31+$0x2800] =	vst v1;
	v24 =	vmovc @p2 v31;
	v33 =	vsub.f32 @p3 v33, v35;
	v22 =	vmul.f32 @p2 v22, v16;
	v23 =	vadd.f32 @p2 $5.000000000e-01, v23  }
0xd9: {  	v44 =	vld [tilespmem:s31+$0xC80];
	[tilespmem:s14+$0x1880] =	vst @p3 v27;
	v18 =	vadd.f32 @p3 v18, v32;
	v3 =	vpsel p2, v24, v3;
	v37 =	vmul.f32 $2.755732000e-07, v43  }
0xda: {  	[tilespmem:s31+$0x2880] =	vst v1;
	v22 =	vadd.f32 @p2 $1.000000000e+00, v22;
	v34 =	vmul.f32 @p2 v23, v11;
	v16 =	vmul.f32 @p2 v23, v16  }
0xdb: {  	[tilespmem:s31+$0x1180] =	vst v41;
	v27 =	vmul.f32 @p2 v23, v24;
	v23 =	vmul.f32 @p2 v23, v6;
	v37 =	vadd.f32 $-2.480158760e-05, v37  }
0xdc: {  	[tilespmem:s14+$0x1900] =	vst @p3 v26;
	v13 =	vpsel p2, v22, v13;
	v36 =	vmul.f32 $2.755731880e-06, v43;
	v35 =	vmul.f32 @p2 v34, v11  }
0xdd: {  	[tilespmem:s14+$0x1100] =	vst @p3 v29;
	v16 =	vsub.f32 @p2 $1.000000000e+00, v16;
	v25 =	vmul.f32 @p2 v27, v24;
	v46 =	vmul.f32 v37, v43  }
0xde: {  	[tilespmem:s31+$0x1980] =	vst v28;
	v32 =	vmul.f32 @p2 v27, v6;
	v27 =	vmul.f32 @p2 v27, v11;
	v36 =	vadd.f32 $-1.984127010e-04, v36  }
0xdf: {  	[tilespmem:s31+$0x2180] =	vst v44;
	v29 =	vmul.f32 @p2 v23, v24;
	v6 =	vpsel p2, v23, v9;
	v47 =	vadd.f32 $1.388888920e-03, v46  }
0xe0: {  	[tilespmem:s14+$0x1800] =	vst @p3 v17;
	v7 =	vpsel p2, v34, v7;
	v17 =	vmul.f32 @p2 v6, v4;
	v45 =	vmul.f32 v36, v43  }
0xe1: {  	v6 =	vmul.f32 @p2 v6, v5;
	v26 =	vadd.f32 @p2 v35, v16;
	v9 =	vmul.f32 v47, v43  }
0xe2: {  	[tilespmem:s14+$0x1080] =	vst @p3 v21;
	v5 =	vmul.f32 @p2 v13, v5;
	v25 =	vadd.f32 @p2 v25, v16;
	v48 =	vadd.f32 $8.333333770e-03, v45  }
0xe3: {  	[tilespmem:s14+$0x2000] =	vst @p3 v33;
	v8 =	vpsel p2, v16, v8;
	v14 =	vpsel p2, v27, v14;
	v9 =	vadd.f32 $-4.166666790e-02, v9  }
0xe4: {  	[tilespmem:s31+$0x2900] =	vst v1;
	v10 =	vpsel p2, v32, v10;
	v12 =	vpsel p2, v29, v12;
	v16 =	vmul.f32 v48, v43  }
0xe5: {  	s29 =	smov.u32 s0;
	[tilespmem:s31+$0x2980] =	vst v0;
	v8 =	vadd.f32 @p2 v17, v8;
	v11 =	vpsel p2, v25, v15;
	v9 =	vmul.f32 v9, v43  }
0xe6: {  	s29 =	smov.u32 @p2 s1;
	v15 =	vpsel p3, v18, v0;
	v18 =	vmul.f32 @p2 v7, v3;
	[tilespmem:s1+$0x2100] =	vst @p2 v26;
	v16 =	vadd.f32 $-1.666666720e-01, v16  }
0xe7: {  	v3 =	vmul.f32 @p2 v13, v3;
	s1 =	smov.u32 @p3 s14;
	v7 =	vmul.f32 @p2 v7, v4;
	[tilespmem:s29+$0x1000] =	vst @p2 v11;
	v9 =	vadd.f32 $5.000000000e-01, v9  }
0xe8: {  	v10 =	vsub.f32 @p2 v10, v5;
	v4 =	vmul.f32 @p2 v13, v4;
	[tilespmem:s1+$0x2080] =	vst @p3 v15;
	s1 =	smov.u32 @p2 s29;
	v49 =	vmul.f32 v16, v43  }
0xe9: {  	v5 =	vadd.f32 @p2 v12, v5;
	[tilespmem:s1+$0x1880] =	vst @p2 v8;
	v50 =	vmul.f32 v9, v20;
	v51 =	vmul.f32 v9, v43  }
0xea: {  	v6 =	vsub.f32 @p2 v6, v3;
	v8 =	vadd.f32 @p2 v14, v4;
	[tilespmem:s1+$0x1080] =	vst @p2 v10;
	v53 =	vmul.f32 v9, v2  }
0xeb: {  	[tilespmem:s1+$0x1800] =	vst @p2 v5;
	v52 =	vadd.f32 $1.000000000e+00, v49;
	v54 =	vsub.f32 $1.000000000e+00, v51;
	v55 =	vmul.f32 v50, v20  }
0xec: {  	v4 =	vsub.f32 @p2 v18, v4;
	[tilespmem:s1+$0x1900] =	vst @p2 v6;
	v9 =	vmul.f32 v9, v19;
	v56 =	vmul.f32 v53, v2  }
0xed: {  	v3 =	vadd.f32 @p2 v7, v3;
	[tilespmem:s1+$0x1100] =	vst @p2 v8;
	v59 =	vmul.f32 v52, v2;
	v5 =	vadd.f32 v55, v54  }
0xee: {  	[tilespmem:s1+$0x2000] =	vst @p2 v4;
	v60 =	vmul.f32 v52, v19;
	v58 =	vmul.f32 v9, v19;
	v4 =	vadd.f32 v56, v54  }
0xef: {  	v62 =	vmul.f32 v9, v2;
	v2 =	vmul.f32 v50, v2;
	[tilespmem:s31+$0x2100] =	vst v5  }
0xf0: {  	v3 =	vpsel p2, v3, v0;
	s1 =	smov.u32 @p2 s1;
	v5 =	vmul.f32 v9, v20;
	[tilespmem:s31+$0x1000] =	vst v4;
	v4 =	vadd.f32 v58, v54  }
0xf1: {  	v57 =	vmul.f32 v53, v20;
	v2 =	vsub.f32 v2, v60;
	[tilespmem:s1+$0x2080] =	vst @p2 v3  }
0xf2: {  	v61 =	vmul.f32 v53, v19;
	v3 =	vsub.f32 v5, v59;
	v5 =	vmul.f32 v52, v20;
	[tilespmem:s31+$0x1880] =	vst v4  }
0xf3: {  	v4 =	vadd.f32 v57, v60;
	[tilespmem:s31+$0x2000] =	vst v2  }
0xf4: {  	v63 =	vmul.f32 v50, v19;
	[tilespmem:s31+$0x1900] =	vst v3;
	v3 =	vsub.f32 v61, v5  }
.Ltmp6:
0xf5: {  	[tilespmem:s31+$0x1100] =	vst v4;
	v4 =	vadd.f32 v62, v5;
	(pc) =	sbr.rel @!p1 .LBB2_14-.Ltmp6, $4  }
0xf6: {  	[tilespmem:s31+$0x1080] =	vst v3;
	v3 =	vadd.f32 v63, v59  }
0xf7: {  	[tilespmem:s31+$0x1800] =	vst v4  }
0xf8: {  	[tilespmem:s31+$0x2080] =	vst v3  }
0xf9: {  	v3 =	vld [tilespmem:s0+$0x300]  }
0xfa: {  	v4 =	vld [tilespmem:s0+$0x500];
	_ =	sdelay $0x1  }
0xfb: {  	v5 =	vld [tilespmem:s0+$0x700];
	_ =	sdelay $0x2  }
0xfc: {  	v7 =	vmul.f32 v3, v3;
	v8 =	vmul.f32 v4, v4  }
0xfd: {  	v2 =	vld [tilespmem:s0+$0x900]  }
0xfe: {  	v63 =	vmul.f32 v5, v5;
	v7 =	vadd.f32 v8, v7  }
0xff: {  	v6 =	vld [tilespmem:s0+$0xB00];
	[tilespmem:s0+$0x2A00] =	vst v1  }
0x100: {  	v9 =	vld [tilespmem:s0+$0xD00];
	[tilespmem:s0+$0x2A80] =	vst v1;
	v16 =	vadd.f32 v63, v7  }
0x101: {  	[tilespmem:s0+$0x2B00] =	vst v1  }
0x102: {  	[tilespmem:s0+$0x1380] =	vst v2;
	v2 =	vmul.f32 $2.755731880e-06, v16  }
0x103: {  	[tilespmem:s0+$0x2B80] =	vst v0  }
0x104: {  	p2 =	por $0x1, $0x1;
	[tilespmem:s0+$0x1B80] =	vst v6;
	v2 =	vadd.f32 $-1.984127010e-04, v2  }
.Ltmp7:
0x105: {  	s30 =	simm.s32 $0x10;
	[tilespmem:s0+$0x2380] =	vst v9;
	v6 =	vmul.f32 $2.755732000e-07, v16;
	(pc) =	sbr.rel @!p2 .LBB2_16-.Ltmp7, $3  }
0x106: {  	v22 =	vmul.f32 v2, v16;
	v2 =	vld [tilespmem:s30+$0x300]  }
0x107: {  	v6 =	vadd.f32 $-2.480158760e-05, v6;
	_ =	sdelay $0x1  }
0x108: {  	p1 =	por $0x1, $0x1;
	v25 =	vmul.f32 v6, v16  }
0x109: {  	_ = 	snop  }
0x10a: {  	v6 =	vld [tilespmem:s30+$0x500];
	v7 =	vadd.f32 $1.388888920e-03, v25;
	_ =	sdelay $0x1  }
0x10b: {  	v11 =	vld [tilespmem:s30+$0x700];
	v7 =	vmul.f32 v7, v16  }
0x10c: {  	v8 =	vadd.f32 $8.333333770e-03, v22  }
0x10d: {  	v12 =	vmul.f32 v2, v2;
	v7 =	vadd.f32 $-4.166666790e-02, v7  }
0x10e: {  	v9 =	vld [tilespmem:s30+$0x900];
	v8 =	vmul.f32 v8, v16;
	v13 =	vmul.f32 v6, v6  }
0x10f: {  	v10 =	vld [tilespmem:s30+$0xB00];
	v7 =	vmul.f32 v7, v16  }
0x110: {  	v14 =	vld [tilespmem:s30+$0xD00];
	v8 =	vadd.f32 $-1.666666720e-01, v8;
	v12 =	vadd.f32 v13, v12;
	v13 =	vmul.f32 v11, v11  }
0x111: {  	[tilespmem:s30+$0x2A00] =	vst v1;
	v15 =	vadd.f32 $5.000000000e-01, v7  }
0x112: {  	[tilespmem:s30+$0x2A80] =	vst v1;
	v18 =	vmul.f32 v8, v16;
	v17 =	vadd.f32 v13, v12  }
0x113: {  	[tilespmem:s30+$0x1380] =	vst v9;
	v7 =	vmul.f32 v15, v5;
	v8 =	vmul.f32 v15, v16  }
0x114: {  	p3 =	por $0x1, $0x1;
	[tilespmem:s30+$0x1B80] =	vst v10;
	v10 =	vmul.f32 $2.755731880e-06, v17;
	v12 =	vmul.f32 $2.755732000e-07, v17  }
.Ltmp8:
0x115: {  	[tilespmem:s30+$0x2380] =	vst v14;
	v13 =	vmul.f32 v15, v3;
	v9 =	vsub.f32 $1.000000000e+00, v8;
	v14 =	vmul.f32 v7, v5;
	(pc) =	sbr.rel @!p3 .LBB2_18-.Ltmp8, $4  }
0x116: {  	[tilespmem:s30+$0x2B00] =	vst v1;
	v16 =	vadd.f32 $-1.984127010e-04, v10;
	v19 =	vadd.f32 $-2.480158760e-05, v12;
	v8 =	vmul.f32 v15, v4  }
0x117: {  	s1 =	simm.s32 $0x20;
	[tilespmem:s30+$0x2B80] =	vst v0;
	v15 =	vmul.f32 v13, v3;
	v10 =	vmul.f32 v13, v4;
	v20 =	vadd.f32 v14, v9  }
0x118: {  	v12 =	vadd.f32 $1.000000000e+00, v18;
	v22 =	vmul.f32 v16, v17;
	v25 =	vmul.f32 v19, v17;
	v19 =	vld [tilespmem:s1+$0x300]  }
0x119: {  	p2 =	por $0x1, $0x1;
	v14 =	vadd.f32 v15, v9;
	v15 =	vmul.f32 v13, v5;
	v13 =	vmul.f32 v8, v3;
	[tilespmem:s0+$0x2300] =	vst v20  }
0x11a: {  	v23 =	vld [tilespmem:s1+$0x500];
	v18 =	vmul.f32 v8, v4  }
0x11b: {  	v16 =	vld [tilespmem:s1+$0x900];
	v21 =	vadd.f32 $1.388888920e-03, v25;
	[tilespmem:s0+$0x1200] =	vst v14  }
0x11c: {  	v25 =	vmul.f32 v8, v5;
	v20 =	vld [tilespmem:s1+$0x700];
	v18 =	vadd.f32 v18, v9  }
0x11d: {  	v22 =	vadd.f32 $8.333333770e-03, v22;
	v28 =	vmul.f32 v12, v3;
	v24 =	vld [tilespmem:s1+$0xB00];
	[tilespmem:s1+$0x2A00] =	vst v1;
	v21 =	vmul.f32 v21, v17  }
0x11e: {  	v27 =	vmul.f32 v7, v3;
	v29 =	vmul.f32 v12, v4;
	v26 =	vld [tilespmem:s1+$0xD00];
	[tilespmem:s0+$0x1A80] =	vst v18  }
0x11f: {  	v18 =	vmul.f32 v22, v17;
	v21 =	vadd.f32 $-4.166666790e-02, v21;
	v22 =	vsub.f32 v25, v28;
	[tilespmem:s1+$0x2A80] =	vst v1  }
0x120: {  	v25 =	vmul.f32 v19, v19;
	v30 =	vmul.f32 v23, v23;
	[tilespmem:s1+$0x1380] =	vst v16;
	v16 =	vadd.f32 v15, v29  }
0x121: {  	v31 =	vmul.f32 v12, v5;
	v21 =	vmul.f32 v21, v17;
	[tilespmem:s0+$0x1B00] =	vst v22  }
0x122: {  	v18 =	vadd.f32 $-1.666666720e-01, v18;
	v22 =	vadd.f32 v30, v25;
	v25 =	vmul.f32 v20, v20;
	[tilespmem:s0+$0x1300] =	vst v16  }
0x123: {  	v30 =	vmul.f32 v7, v4;
	v21 =	vadd.f32 $5.000000000e-01, v21;
	[tilespmem:s1+$0x1B80] =	vst v24;
	v24 =	vsub.f32 v10, v31  }
0x124: {  	v32 =	vmul.f32 v18, v17;
	[tilespmem:s1+$0x2380] =	vst v26;
	v26 =	vsub.f32 v27, v29;
	v16 =	vadd.f32 v25, v22  }
0x125: {  	v22 =	vadd.f32 v13, v31;
	v18 =	vmul.f32 v21, v11;
	v25 =	vmul.f32 v21, v17  }
0x126: {  	p3 =	por $0x1, $0x1;
	v28 =	vadd.f32 v30, v28;
	[tilespmem:s0+$0x1280] =	vst v24;
	v24 =	vmul.f32 $2.755731880e-06, v16;
	v29 =	vmul.f32 $2.755732000e-07, v16  }
.Ltmp9:
0x127: {  	v31 =	vmul.f32 v21, v2;
	[tilespmem:s0+$0x1A00] =	vst v22;
	v27 =	vsub.f32 $1.000000000e+00, v25;
	v22 =	vmul.f32 v18, v11;
	(pc) =	sbr.rel @!p3 .LBB2_20-.Ltmp9, $4  }
0x128: {  	[tilespmem:s0+$0x2200] =	vst v26;
	v26 =	vmul.f32 v21, v6;
	v24 =	vadd.f32 $-1.984127010e-04, v24;
	v25 =	vadd.f32 $-2.480158760e-05, v29  }
0x129: {  	[tilespmem:s1+$0x2B00] =	vst v1;
	v21 =	vmul.f32 v31, v6;
	v29 =	vmul.f32 v31, v2;
	v33 =	vadd.f32 v22, v27  }
0x12a: {  	s31 =	simm.s32 $0x30;
	v17 =	vadd.f32 $1.000000000e+00, v32;
	[tilespmem:s1+$0x2B80] =	vst v0;
	v22 =	vmul.f32 v24, v16;
	v25 =	vmul.f32 v25, v16  }
0x12b: {  	s14 =	simm.s32 $0x100;
	p0 =	por $0x1, $0x1;
	s29 =	simm.s32 $0x0;
	v35 =	vld [tilespmem:s31+$0x300];
	v32 =	vadd.f32 v29, v27;
	v29 =	vmul.f32 v31, v11;
	v24 =	vmul.f32 v26, v2;
	[tilespmem:s30+$0x2300] =	vst v33  }
.LBB2_21:
0x12c: {  	p3 =	sne.s32 s14, $0x1C0;
	v30 =	vld [tilespmem:s31+$0x500];
	v22 =	vadd.f32 $8.333333770e-03, v22;
	v25 =	vadd.f32 $1.388888920e-03, v25;
	v31 =	vmul.f32 v26, v6  }
0x12d: {  	v26 =	vmul.f32 v26, v11;
	v34 =	vmul.f32 v18, v2;
	v33 =	vld [tilespmem:s31+$0x900];
	[tilespmem:s30+$0x1200] =	vst v32  }
0x12e: {  	v32 =	vld [tilespmem:s31+$0x700];
	v22 =	vmul.f32 v22, v16;
	v25 =	vmul.f32 v25, v16;
	v27 =	vadd.f32 v31, v27;
	[tilespmem:s29+$0x2280] =	vst v28;
	s29 =	smov.u32 s30;
	s30 =	smov.u32 s1;
	s1 =	smov.u32 s31  }
0x12f: {  	v36 =	vmul.f32 v18, v6;
	v31 =	vmul.f32 v17, v2;
	v2 =	vmov v19;
	v28 =	vld [tilespmem:s1+$0xB00];
	[tilespmem:s1+$0x2A00] =	vst v1  }
0x130: {  	v37 =	vmul.f32 v17, v6;
	v6 =	vmovc v23;
	v18 =	vld [tilespmem:s1+$0xD00];
	v22 =	vadd.f32 $-1.666666720e-01, v22;
	v25 =	vadd.f32 $-4.166666790e-02, v25;
	[tilespmem:s29+$0x1A80] =	vst v27;
	v19 =	vmovc v35  }
0x131: {  	v26 =	vsub.f32 v26, v31;
	v38 =	vmul.f32 v35, v19;
	v27 =	vmul.f32 v30, v30;
	[tilespmem:s1+$0x2A80] =	vst v1  }
0x132: {  	v29 =	vadd.f32 v29, v37;
	[tilespmem:s1+$0x1380] =	vst v33;
	v22 =	vmul.f32 v22, v16;
	v25 =	vmul.f32 v25, v16  }
0x133: {  	v35 =	vmul.f32 v17, v11;
	v27 =	vadd.f32 v27, v38;
	v33 =	vmul.f32 v32, v32;
	[tilespmem:s29+$0x1B00] =	vst v26  }
0x134: {  	v23 =	vmovc v30;
	v11 =	vmovc v20;
	v20 =	vmov v32;
	v17 =	vadd.f32 $1.000000000e+00, v22;
	v22 =	vadd.f32 $5.000000000e-01, v25;
	[tilespmem:s29+$0x1300] =	vst v29  }
0x135: {  	v21 =	vsub.f32 v21, v35;
	v25 =	vadd.f32 v33, v27;
	[tilespmem:s1+$0x1B80] =	vst v28  }
0x136: {  	v24 =	vadd.f32 v24, v35;
	[tilespmem:s1+$0x2380] =	vst v18;
	v18 =	vmul.f32 v22, v11;
	v26 =	vmul.f32 v22, v16  }
0x137: {  	v30 =	vsub.f32 v34, v37;
	v28 =	vmul.f32 $2.755731880e-06, v25;
	v29 =	vmul.f32 $2.755732000e-07, v25;
	[tilespmem:s29+$0x1280] =	vst v21;
	v16 =	vmovc v25  }
.Ltmp10:
0x138: {  	v33 =	vmul.f32 v22, v2;
	v27 =	vsub.f32 $1.000000000e+00, v26;
	v25 =	vmul.f32 v18, v11;
	[tilespmem:s29+$0x1A00] =	vst v24;
	(pc) =	sbr.rel @p3 .LBB2_21-.Ltmp10, $4  }
0x139: {  	v26 =	vmul.f32 v22, v6;
	v24 =	vadd.f32 $-1.984127010e-04, v28;
	v28 =	vadd.f32 $-2.480158760e-05, v29;
	[tilespmem:s29+$0x2200] =	vst v30  }
0x13a: {  	v21 =	vmul.f32 v33, v6;
	v29 =	vmul.f32 v33, v2;
	[tilespmem:s1+$0x2B00] =	vst v1;
	v30 =	vadd.f32 v25, v27  }
0x13b: {  	s31 =	sshra.s32 s14, $0x2;
	v22 =	vmul.f32 v24, v16;
	v25 =	vmul.f32 v28, v16;
	[tilespmem:s1+$0x2B80] =	vst v0;
	v28 =	vadd.f32 v36, v31  }
0x13c: {  	s14 =	sadd.s32 $0x40, s14;
	v32 =	vadd.f32 v29, v27;
	v29 =	vmul.f32 v33, v11;
	v24 =	vmul.f32 v26, v2;
	v35 =	vld [tilespmem:s31+$0x300];
	[tilespmem:s30+$0x2300] =	vst v30  }
0x13d: {  	_ =	sdelay $0x2  }
0x13e: {  	v30 =	vmov v6;
	v33 =	vmov v11  }
0x13f: {  	v34 =	vmovc v2;
	s14 =	smov.u32 s30;
	s30 =	smov.u32 s1;
	v31 =	vmovc v19;
	v6 =	vmov v23;
	v11 =	vmov v20;
	v2 =	vmov v35  }
.LBB2_23:
0x140: {  	v19 =	vld [tilespmem:s31+$0x500]  }
0x141: {  	v22 =	vadd.f32 @p1 $8.333333770e-03, v22;
	v55 =	vld [tilespmem:s31+$0x900];
	v35 =	vmul.f32 @p2 v26, v30;
	[tilespmem:s14+$0x1200] =	vst @p2 v32  }
0x142: {  	v23 =	vadd.f32 @p1 $1.388888920e-03, v25;
	v26 =	vmul.f32 @p2 v26, v33;
	v32 =	vmul.f32 @p2 v17, v34;
	v20 =	vld [tilespmem:s31+$0x700]  }
0x143: {  	v36 =	vmul.f32 v2, v2;
	v4 =	vpsel p1, v6, v4;
	v5 =	vpsel p1, v11, v5  }
0x144: {  	v22 =	vmul.f32 @p1 v22, v16;
	v23 =	vmul.f32 @p1 v23, v16;
	v27 =	vadd.f32 @p2 v35, v27  }
0x145: {  	v35 =	vmul.f32 @p2 v17, v30;
	v26 =	vsub.f32 @p2 v26, v32;
	v37 =	vmul.f32 v19, v19  }
0x146: {  	v17 =	vmul.f32 @p2 v17, v33;
	v33 =	vmul.f32 @p2 v18, v34;
	v23 =	vadd.f32 @p1 $-4.166666790e-02, v23  }
0x147: {  	v22 =	vadd.f32 @p1 $-1.666666720e-01, v22;
	v56 =	vmul.f32 v20, v20;
	v36 =	vadd.f32 v37, v36  }
0x148: {  	v29 =	vadd.f32 @p2 v29, v35;
	v21 =	vsub.f32 @p2 v21, v17;
	v23 =	vmul.f32 @p1 v23, v16  }
0x149: {  	[tilespmem:s29+$0x2280] =	vst @p0 v28;
	v18 =	vmul.f32 @p2 v18, v30;
	v17 =	vadd.f32 @p2 v24, v17;
	v57 =	vadd.f32 v56, v36  }
0x14a: {  	s1 =	smov.u32 @p2 s14;
	v28 =	vld [tilespmem:s31+$0xB00];
	[tilespmem:s31+$0x2A00] =	vst v1;
	v24 =	vmovc @p1 v31;
	v33 =	vsub.f32 @p2 v33, v35;
	v22 =	vmul.f32 @p1 v22, v16;
	v23 =	vadd.f32 @p1 $5.000000000e-01, v23  }
0x14b: {  	v58 =	vld [tilespmem:s31+$0xD00];
	[tilespmem:s1+$0x1A80] =	vst @p2 v27;
	v18 =	vadd.f32 @p2 v18, v32;
	v3 =	vpsel p1, v24, v3;
	v37 =	vmul.f32 $2.755732000e-07, v57  }
0x14c: {  	[tilespmem:s31+$0x2A80] =	vst v1;
	v22 =	vadd.f32 @p1 $1.000000000e+00, v22;
	v34 =	vmul.f32 @p1 v23, v11;
	v16 =	vmul.f32 @p1 v23, v16  }
0x14d: {  	[tilespmem:s31+$0x1380] =	vst v55;
	v27 =	vmul.f32 @p1 v23, v24;
	v23 =	vmul.f32 @p1 v23, v6;
	v37 =	vadd.f32 $-2.480158760e-05, v37  }
0x14e: {  	[tilespmem:s1+$0x1B00] =	vst @p2 v26;
	v12 =	vpsel p1, v22, v12;
	v36 =	vmul.f32 $2.755731880e-06, v57;
	v35 =	vmul.f32 @p1 v34, v11  }
0x14f: {  	[tilespmem:s1+$0x1300] =	vst @p2 v29;
	v16 =	vsub.f32 @p1 $1.000000000e+00, v16;
	v25 =	vmul.f32 @p1 v27, v24;
	v60 =	vmul.f32 v37, v57  }
0x150: {  	[tilespmem:s31+$0x1B80] =	vst v28;
	v32 =	vmul.f32 @p1 v27, v6;
	v27 =	vmul.f32 @p1 v27, v11;
	v36 =	vadd.f32 $-1.984127010e-04, v36  }
0x151: {  	[tilespmem:s31+$0x2380] =	vst v58;
	v29 =	vmul.f32 @p1 v23, v24;
	v6 =	vpsel p1, v23, v8;
	v8 =	vadd.f32 $1.388888920e-03, v60  }
0x152: {  	[tilespmem:s1+$0x1A00] =	vst @p2 v17;
	v7 =	vpsel p1, v34, v7;
	v17 =	vmul.f32 @p1 v6, v4;
	v59 =	vmul.f32 v36, v57  }
0x153: {  	v6 =	vmul.f32 @p1 v6, v5;
	v26 =	vadd.f32 @p1 v35, v16;
	v8 =	vmul.f32 v8, v57  }
0x154: {  	[tilespmem:s1+$0x1280] =	vst @p2 v21;
	v25 =	vadd.f32 @p1 v25, v16;
	v9 =	vpsel p1, v16, v9;
	v16 =	vadd.f32 $8.333333770e-03, v59  }
0x155: {  	[tilespmem:s1+$0x2200] =	vst @p2 v33;
	v5 =	vmul.f32 @p1 v12, v5;
	v15 =	vpsel p1, v27, v15;
	v8 =	vadd.f32 $-4.166666790e-02, v8  }
0x156: {  	[tilespmem:s31+$0x2B00] =	vst v1;
	v10 =	vpsel p1, v32, v10;
	v9 =	vadd.f32 @p1 v17, v9;
	v16 =	vmul.f32 v16, v57  }
0x157: {  	s14 =	smov.u32 @p1 s30;
	[tilespmem:s31+$0x2B80] =	vst v0;
	v11 =	vpsel p1, v25, v14;
	v14 =	vpsel p2, v18, v0;
	v8 =	vmul.f32 v8, v57  }
0x158: {  	s0 =	smov.u32 @p1 s14;
	v18 =	vmul.f32 @p1 v7, v3;
	[tilespmem:s14+$0x2300] =	vst @p1 v26;
	v3 =	vmul.f32 @p1 v12, v3;
	v16 =	vadd.f32 $-1.666666720e-01, v16  }
0x159: {  	s1 =	smov.u32 @p2 s1;
	v7 =	vmul.f32 @p1 v7, v4;
	v4 =	vmul.f32 @p1 v12, v4;
	[tilespmem:s0+$0x1200] =	vst @p1 v11;
	v8 =	vadd.f32 $5.000000000e-01, v8  }
0x15a: {  	v13 =	vpsel p1, v29, v13;
	[tilespmem:s1+$0x2280] =	vst @p2 v14;
	v6 =	vsub.f32 @p1 v6, v3;
	v11 =	vmul.f32 v16, v57  }
0x15b: {  	[tilespmem:s0+$0x1A80] =	vst @p1 v9;
	v9 =	vadd.f32 @p1 v15, v4;
	v12 =	vmul.f32 v8, v20;
	v14 =	vmul.f32 v8, v57  }
0x15c: {  	v10 =	vsub.f32 @p1 v10, v5;
	[tilespmem:s0+$0x1B00] =	vst @p1 v6;
	v6 =	vadd.f32 $1.000000000e+00, v11;
	v11 =	vmul.f32 v8, v2  }
0x15d: {  	v5 =	vadd.f32 @p1 v13, v5;
	[tilespmem:s0+$0x1300] =	vst @p1 v9;
	v9 =	vsub.f32 $1.000000000e+00, v14;
	v13 =	vmul.f32 v12, v20  }
0x15e: {  	v4 =	vsub.f32 @p1 v18, v4;
	[tilespmem:s0+$0x1280] =	vst @p1 v10;
	v8 =	vmul.f32 v8, v19;
	v10 =	vmul.f32 v11, v2  }
0x15f: {  	v3 =	vadd.f32 @p1 v7, v3;
	[tilespmem:s0+$0x1A00] =	vst @p1 v5;
	v5 =	vadd.f32 v13, v9  }
0x160: {  	[tilespmem:s0+$0x2200] =	vst @p1 v4;
	v4 =	vadd.f32 v10, v9;
	v10 =	vmul.f32 v8, v19  }
0x161: {  	v3 =	vpsel p1, v3, v0;
	v13 =	vmul.f32 v6, v2;
	[tilespmem:s31+$0x2300] =	vst v5;
	v5 =	vmul.f32 v8, v20  }
0x162: {  	s0 =	smov.u32 @p1 s0;
	v7 =	vmul.f32 v11, v20;
	[tilespmem:s31+$0x1200] =	vst v4;
	v4 =	vadd.f32 v10, v9;
	v9 =	vmul.f32 v6, v19  }
0x163: {  	v10 =	vmul.f32 v11, v19;
	[tilespmem:s0+$0x2280] =	vst @p1 v3;
	v3 =	vsub.f32 v5, v13;
	v5 =	vmul.f32 v6, v20  }
0x164: {  	v6 =	vmul.f32 v8, v2;
	[tilespmem:s31+$0x1A80] =	vst v4;
	v4 =	vadd.f32 v7, v9  }
0x165: {  	v2 =	vmul.f32 v12, v2;
	[tilespmem:s31+$0x1B00] =	vst v3;
	v3 =	vsub.f32 v10, v5  }
0x166: {  	v7 =	vmul.f32 v12, v19;
	[tilespmem:s31+$0x1300] =	vst v4;
	v4 =	vadd.f32 v6, v5  }
0x167: {  	v2 =	vsub.f32 v2, v9;
	[tilespmem:s31+$0x1280] =	vst v3  }
0x168: {  	[tilespmem:s31+$0x1A00] =	vst v4;
	v3 =	vadd.f32 v7, v13  }
0x169: {  	[tilespmem:s31+$0x2200] =	vst v2  }
0x16a: {  	[tilespmem:s31+$0x2280] =	vst v3;
	s31 =	simm.s32 $0x0  }
0x16b: {  	v8 =	vld [tilespmem:s31+$0x380]  }
0x16c: {  	v9 =	vld [tilespmem:s31+$0x580];
	_ =	sdelay $0x1  }
0x16d: {  	v10 =	vld [tilespmem:s31+$0x780];
	_ =	sdelay $0x2  }
0x16e: {  	v2 =	vmul.f32 v8, v8;
	v3 =	vmul.f32 v9, v9;
	_ =	sdelay $0x1  }
0x16f: {  	v2 =	vadd.f32 v3, v2;
	v3 =	vmul.f32 v10, v10;
	_ =	sdelay $0x1  }
0x170: {  	v11 =	vadd.f32 v3, v2  }
0x171: {  	v2 =	vld [tilespmem:s31+$0xD80]  }
0x172: {  	v3 =	vmul.f32 $2.755732000e-07, v11  }
0x173: {  	v4 =	vld [tilespmem:s31+$0x980];
	[tilespmem:s31+$0x2C00] =	vst v1  }
0x174: {  	v5 =	vld [tilespmem:s31+$0xB80];
	[tilespmem:s31+$0x2C80] =	vst v1;
	v3 =	vadd.f32 $-2.480158760e-05, v3  }
0x175: {  	[tilespmem:s31+$0x2D00] =	vst v1  }
0x176: {  	[tilespmem:s31+$0x2580] =	vst v2;
	v2 =	vmul.f32 v3, v11  }
0x177: {  	[tilespmem:s31+$0x2D80] =	vst v0  }
0x178: {  	[tilespmem:s31+$0x1580] =	vst v4;
	v2 =	vadd.f32 $1.388888920e-03, v2  }
0x179: {  	s30 =	simm.s32 $0x10;
	[tilespmem:s31+$0x1D80] =	vst v5  }
0x17a: {  	v6 =	vld [tilespmem:s30+$0x380];
	v2 =	vmul.f32 v2, v11  }
0x17b: {  	v5 =	vld [tilespmem:s30+$0x580]  }
0x17c: {  	v2 =	vadd.f32 $-4.166666790e-02, v2  }
0x17d: {  	v4 =	vmul.f32 $2.755731880e-06, v11;
	v7 =	vld [tilespmem:s30+$0x780]  }
0x17e: {  	v3 =	vld [tilespmem:s30+$0x980];
	v2 =	vmul.f32 v2, v11  }
0x17f: {  	v4 =	vadd.f32 $-1.984127010e-04, v4;
	v13 =	vld [tilespmem:s30+$0xD80]  }
0x180: {  	v12 =	vld [tilespmem:s30+$0xB80];
	v15 =	vmul.f32 v5, v5;
	v14 =	vadd.f32 $5.000000000e-01, v2;
	v2 =	vmul.f32 v6, v6;
	_ =	sdelay $0x1  }
0x181: {  	[tilespmem:s30+$0x2C00] =	vst v1;
	v4 =	vmul.f32 v4, v11;
	v2 =	vadd.f32 v15, v2;
	v15 =	vmul.f32 v7, v7  }
0x182: {  	[tilespmem:s30+$0x1580] =	vst v3;
	v16 =	vmul.f32 v14, v10;
	v3 =	vmul.f32 v14, v11  }
0x183: {  	[tilespmem:s30+$0x2580] =	vst v13;
	v13 =	vadd.f32 v15, v2  }
0x184: {  	v4 =	vadd.f32 $8.333333770e-03, v4;
	[tilespmem:s30+$0x1D80] =	vst v12;
	v12 =	vsub.f32 $1.000000000e+00, v3;
	v3 =	vmul.f32 v16, v10  }
0x185: {  	[tilespmem:s30+$0x2C80] =	vst v1;
	v17 =	vmul.f32 $2.755732000e-07, v13  }
0x186: {  	[tilespmem:s30+$0x2D00] =	vst v1;
	v15 =	vmul.f32 v14, v8;
	v2 =	vmul.f32 v4, v11;
	v4 =	vadd.f32 v3, v12  }
0x187: {  	s29 =	simm.s32 $0x20;
	[tilespmem:s30+$0x2D80] =	vst v0;
	v17 =	vadd.f32 $-2.480158760e-05, v17  }
0x188: {  	v18 =	vmul.f32 v15, v8;
	v3 =	vld [tilespmem:s29+$0x380];
	v19 =	vadd.f32 $-1.666666720e-01, v2;
	[tilespmem:s31+$0x2500] =	vst v4;
	v4 =	vmul.f32 $2.755731880e-06, v13  }
0x189: {  	v14 =	vmul.f32 v14, v9;
	v17 =	vmul.f32 v17, v13  }
0x18a: {  	v18 =	vadd.f32 v18, v12;
	v11 =	vmul.f32 v19, v11;
	v2 =	vld [tilespmem:s29+$0x580];
	v20 =	vadd.f32 $-1.984127010e-04, v4  }
0x18b: {  	v21 =	vmul.f32 v14, v9;
	v23 =	vmul.f32 v14, v8;
	v17 =	vadd.f32 $1.388888920e-03, v17  }
0x18c: {  	v14 =	vmul.f32 v14, v10;
	v19 =	vld [tilespmem:s29+$0x980];
	[tilespmem:s31+$0x1400] =	vst v18;
	v11 =	vadd.f32 $1.000000000e+00, v11;
	v20 =	vmul.f32 v20, v13  }
0x18d: {  	v12 =	vadd.f32 v21, v12;
	v18 =	vmul.f32 v15, v9;
	v4 =	vld [tilespmem:s29+$0x780];
	v17 =	vmul.f32 v17, v13  }
0x18e: {  	v15 =	vmul.f32 v15, v10;
	v22 =	vld [tilespmem:s29+$0xB80];
	[tilespmem:s29+$0x2C00] =	vst v1;
	v21 =	vmul.f32 v11, v8;
	v20 =	vadd.f32 $8.333333770e-03, v20  }
0x18f: {  	v61 =	vld [tilespmem:s29+$0xD80];
	v62 =	vmul.f32 v11, v9;
	[tilespmem:s31+$0x1C80] =	vst v12;
	v63 =	vmul.f32 v2, v2;
	v17 =	vadd.f32 $-4.166666790e-02, v17  }
0x190: {  	[tilespmem:s29+$0x2C80] =	vst v1;
	v14 =	vsub.f32 v14, v21;
	v12 =	vmul.f32 v20, v13;
	v20 =	vmul.f32 v3, v3  }
0x191: {  	v10 =	vmul.f32 v11, v10;
	[tilespmem:s29+$0x1580] =	vst v19;
	v15 =	vadd.f32 v15, v62;
	v17 =	vmul.f32 v17, v13  }
0x192: {  	[tilespmem:s31+$0x1D00] =	vst v14;
	v14 =	vmul.f32 v4, v4;
	v11 =	vadd.f32 $-1.666666720e-01, v12;
	v12 =	vadd.f32 v63, v20  }
0x193: {  	v8 =	vmul.f32 v16, v8;
	v20 =	vmul.f32 v16, v9;
	v16 =	vadd.f32 $5.000000000e-01, v17  }
0x194: {  	[tilespmem:s31+$0x1500] =	vst v15;
	v11 =	vmul.f32 v11, v13;
	v9 =	vadd.f32 v14, v12  }
0x195: {  	v15 =	vsub.f32 v18, v10;
	[tilespmem:s29+$0x1D80] =	vst v22;
	v14 =	vadd.f32 v23, v10;
	v12 =	vmul.f32 v16, v7  }
0x196: {  	[tilespmem:s29+$0x2580] =	vst v61;
	v13 =	vmul.f32 v16, v13;
	v10 =	vadd.f32 $1.000000000e+00, v11;
	v11 =	vmul.f32 $2.755731880e-06, v9  }
0x197: {  	v8 =	vsub.f32 v8, v62;
	v17 =	vmul.f32 $2.755732000e-07, v9;
	[tilespmem:s31+$0x1C00] =	vst v14;
	v14 =	vmul.f32 v16, v6  }
0x198: {  	[tilespmem:s31+$0x1480] =	vst v15;
	v16 =	vmul.f32 v16, v5;
	v15 =	vsub.f32 $1.000000000e+00, v13;
	v13 =	vmul.f32 v12, v7  }
0x199: {  	[tilespmem:s31+$0x2400] =	vst v8;
	v8 =	vadd.f32 $-1.984127010e-04, v11;
	v17 =	vadd.f32 $-2.480158760e-05, v17;
	v22 =	vmul.f32 v14, v6  }
0x19a: {  	[tilespmem:s29+$0x2D00] =	vst v1;
	v11 =	vmul.f32 v14, v5;
	v14 =	vmul.f32 v14, v7;
	v23 =	vadd.f32 v13, v15  }
0x19b: {  	s0 =	simm.s32 $0x30;
	[tilespmem:s29+$0x2D80] =	vst v0;
	v18 =	vmul.f32 v8, v9;
	v19 =	vmul.f32 v17, v9  }
0x19c: {  	s1 =	simm.s32 $0x100;
	v17 =	vadd.f32 v20, v21;
	v8 =	vld [tilespmem:s0+$0x380];
	v20 =	vadd.f32 v22, v15;
	v13 =	vmul.f32 v16, v6;
	[tilespmem:s30+$0x2500] =	vst v23  }
.LBB2_24:
0x19d: {  	p0 =	sne.s32 s1, $0x1C0;
	v21 =	vld [tilespmem:s0+$0x580];
	v18 =	vadd.f32 $8.333333770e-03, v18;
	v19 =	vadd.f32 $1.388888920e-03, v19;
	v22 =	vmul.f32 v16, v5  }
0x19e: {  	v16 =	vmul.f32 v16, v7;
	v24 =	vmul.f32 v12, v6;
	v23 =	vld [tilespmem:s0+$0x980];
	[tilespmem:s30+$0x1400] =	vst v20  }
0x19f: {  	v20 =	vld [tilespmem:s0+$0x780];
	v18 =	vmul.f32 v18, v9;
	v19 =	vmul.f32 v19, v9;
	v15 =	vadd.f32 v22, v15;
	[tilespmem:s31+$0x2480] =	vst v17;
	s31 =	smov.u32 s30;
	s30 =	smov.u32 s29;
	s29 =	smov.u32 s0  }
0x1a0: {  	v25 =	vmul.f32 v12, v5;
	v22 =	vmul.f32 v10, v6;
	v6 =	vmov v3;
	v17 =	vld [tilespmem:s29+$0xB80];
	[tilespmem:s29+$0x2C00] =	vst v1  }
0x1a1: {  	v26 =	vmul.f32 v10, v5;
	v5 =	vmovc v2;
	v12 =	vld [tilespmem:s29+$0xD80];
	v18 =	vadd.f32 $-1.666666720e-01, v18;
	v19 =	vadd.f32 $-4.166666790e-02, v19;
	[tilespmem:s31+$0x1C80] =	vst v15;
	v3 =	vmovc v8  }
0x1a2: {  	v15 =	vsub.f32 v16, v22;
	v27 =	vmul.f32 v8, v3;
	v8 =	vmul.f32 v21, v21;
	[tilespmem:s29+$0x2C80] =	vst v1  }
0x1a3: {  	v14 =	vadd.f32 v14, v26;
	[tilespmem:s29+$0x1580] =	vst v23;
	v16 =	vmul.f32 v18, v9;
	v18 =	vmul.f32 v19, v9  }
0x1a4: {  	v23 =	vmul.f32 v10, v7;
	v8 =	vadd.f32 v8, v27;
	v19 =	vmul.f32 v20, v20;
	[tilespmem:s31+$0x1D00] =	vst v15  }
0x1a5: {  	v2 =	vmovc v21;
	v7 =	vmovc v4;
	v4 =	vmov v20;
	v10 =	vadd.f32 $1.000000000e+00, v16;
	v16 =	vadd.f32 $5.000000000e-01, v18;
	[tilespmem:s31+$0x1500] =	vst v14  }
0x1a6: {  	v11 =	vsub.f32 v11, v23;
	v8 =	vadd.f32 v19, v8;
	[tilespmem:s29+$0x1D80] =	vst v17  }
0x1a7: {  	v13 =	vadd.f32 v13, v23;
	[tilespmem:s29+$0x2580] =	vst v12;
	v12 =	vmul.f32 v16, v7;
	v14 =	vmul.f32 v16, v9  }
0x1a8: {  	v19 =	vsub.f32 v24, v26;
	v17 =	vmul.f32 $2.755731880e-06, v8;
	v18 =	vmul.f32 $2.755732000e-07, v8;
	[tilespmem:s31+$0x1480] =	vst v11;
	v9 =	vmovc v8  }
.Ltmp11:
0x1a9: {  	v21 =	vmul.f32 v16, v6;
	v15 =	vsub.f32 $1.000000000e+00, v14;
	v8 =	vmul.f32 v12, v7;
	[tilespmem:s31+$0x1C00] =	vst v13;
	(pc) =	sbr.rel @p0 .LBB2_24-.Ltmp11, $4  }
0x1aa: {  	v16 =	vmul.f32 v16, v5;
	v13 =	vadd.f32 $-1.984127010e-04, v17;
	v14 =	vadd.f32 $-2.480158760e-05, v18;
	[tilespmem:s31+$0x2400] =	vst v19  }
0x1ab: {  	v20 =	vmul.f32 v21, v6;
	v11 =	vmul.f32 v21, v5;
	[tilespmem:s29+$0x2D00] =	vst v1;
	v23 =	vadd.f32 v8, v15  }
0x1ac: {  	s0 =	sshra.s32 s1, $0x2;
	v17 =	vadd.f32 v25, v22;
	v18 =	vmul.f32 v13, v9;
	v19 =	vmul.f32 v14, v9;
	[tilespmem:s29+$0x2D80] =	vst v0  }
0x1ad: {  	s1 =	sadd.s32 $0x40, s1;
	v20 =	vadd.f32 v20, v15;
	v14 =	vmul.f32 v21, v7;
	v13 =	vmul.f32 v16, v6;
	v8 =	vld [tilespmem:s0+$0x380];
	[tilespmem:s30+$0x2500] =	vst v23  }
0x1ae: {  	v21 =	vld [tilespmem:s0+$0x580]  }
0x1af: {  	v22 =	vld [tilespmem:s0+$0x980];
	[tilespmem:s30+$0x1400] =	vst v20  }
0x1b0: {  	v20 =	vld [tilespmem:s0+$0x780];
	_ =	sdelay $0x1  }
0x1b1: {  	v19 =	vadd.f32 $1.388888920e-03, v19  }
0x1b2: {  	v23 =	vmul.f32 v8, v8;
	v24 =	vmul.f32 v21, v21  }
0x1b3: {  	v19 =	vmul.f32 v19, v9  }
0x1b4: {  	v18 =	vadd.f32 $8.333333770e-03, v18;
	v23 =	vadd.f32 v24, v23;
	v51 =	vmul.f32 v20, v20  }
0x1b5: {  	v25 =	vmul.f32 v16, v5;
	v53 =	vmul.f32 v16, v7;
	v52 =	vadd.f32 $-4.166666790e-02, v19  }
0x1b6: {  	v55 =	vmul.f32 v10, v6;
	v57 =	vmul.f32 v10, v7;
	v23 =	vadd.f32 v51, v23  }
0x1b7: {  	v18 =	vmul.f32 v18, v9;
	[tilespmem:s31+$0x2480] =	vst v17;
	v15 =	vadd.f32 v25, v15;
	v17 =	vmul.f32 v52, v9  }
0x1b8: {  	v58 =	vmul.f32 v10, v5;
	v54 =	vld [tilespmem:s0+$0xB80];
	[tilespmem:s0+$0x2C00] =	vst v1;
	v26 =	vmul.f32 $2.755732000e-07, v23  }
0x1b9: {  	v61 =	vmul.f32 v12, v6;
	v56 =	vld [tilespmem:s0+$0xD80];
	v18 =	vadd.f32 $-1.666666720e-01, v18;
	[tilespmem:s30+$0x1C80] =	vst v15;
	v17 =	vadd.f32 $5.000000000e-01, v17  }
0x1ba: {  	v63 =	vmul.f32 v12, v5;
	v59 =	vsub.f32 v53, v55;
	[tilespmem:s0+$0x2C80] =	vst v1;
	v62 =	vadd.f32 $-2.480158760e-05, v26  }
0x1bb: {  	[tilespmem:s0+$0x1580] =	vst v22;
	v22 =	vadd.f32 v14, v58;
	v60 =	vmul.f32 v18, v9;
	v27 =	vmul.f32 v17, v9  }
0x1bc: {  	v11 =	vsub.f32 v11, v57;
	[tilespmem:s30+$0x1D00] =	vst v59;
	v29 =	vmul.f32 v17, v4;
	v28 =	vmul.f32 v62, v23  }
0x1bd: {  	v7 =	vadd.f32 v13, v57;
	[tilespmem:s30+$0x1500] =	vst v22;
	v31 =	vmul.f32 v17, v3;
	v17 =	vmul.f32 v17, v2  }
0x1be: {  	[tilespmem:s0+$0x1D80] =	vst v54;
	v30 =	vmul.f32 $2.755731880e-06, v23;
	v32 =	vmul.f32 v29, v4;
	v15 =	vadd.f32 $1.388888920e-03, v28  }
0x1bf: {  	v6 =	vsub.f32 v61, v58;
	[tilespmem:s0+$0x2580] =	vst v56;
	v33 =	vmul.f32 v31, v3;
	v35 =	vmul.f32 v31, v2  }
0x1c0: {  	[tilespmem:s30+$0x1480] =	vst v11;
	v37 =	vmul.f32 v31, v4;
	v13 =	vadd.f32 $-1.984127010e-04, v30;
	v34 =	vmul.f32 v15, v23  }
0x1c1: {  	[tilespmem:s30+$0x1C00] =	vst v7;
	v9 =	vsub.f32 $1.000000000e+00, v27;
	v38 =	vmul.f32 v17, v3;
	v39 =	vmul.f32 v17, v2  }
0x1c2: {  	[tilespmem:s30+$0x2400] =	vst v6;
	v17 =	vmul.f32 v17, v4;
	v13 =	vmul.f32 v13, v23;
	v11 =	vadd.f32 $-4.166666790e-02, v34  }
0x1c3: {  	[tilespmem:s0+$0x2D00] =	vst v1;
	v40 =	vmul.f32 v29, v3;
	v26 =	vadd.f32 $1.000000000e+00, v60;
	v36 =	vadd.f32 v32, v9  }
0x1c4: {  	[tilespmem:s0+$0x2D80] =	vst v0;
	v10 =	vadd.f32 v33, v9;
	v13 =	vadd.f32 $8.333333770e-03, v13;
	v11 =	vmul.f32 v11, v23  }
0x1c5: {  	v5 =	vadd.f32 v63, v55;
	v3 =	vmul.f32 v26, v3;
	v41 =	vmul.f32 v26, v2;
	[tilespmem:s29+$0x2500] =	vst v36  }
0x1c6: {  	v9 =	vadd.f32 v39, v9;
	[tilespmem:s29+$0x1400] =	vst v10;
	v13 =	vmul.f32 v13, v23;
	v11 =	vadd.f32 $5.000000000e-01, v11  }
0x1c7: {  	v44 =	vmul.f32 v26, v4;
	[tilespmem:s30+$0x2480] =	vst v5;
	v43 =	vsub.f32 v17, v3;
	v6 =	vadd.f32 v37, v41  }
0x1c8: {  	[tilespmem:s29+$0x1C80] =	vst v9;
	v42 =	vadd.f32 $-1.666666720e-01, v13;
	v45 =	vmul.f32 v11, v20;
	v46 =	vmul.f32 v11, v23  }
0x1c9: {  	v7 =	vsub.f32 v35, v44;
	v4 =	vadd.f32 v38, v44;
	[tilespmem:s29+$0x1D00] =	vst v43;
	v47 =	vmul.f32 v11, v8  }
0x1ca: {  	[tilespmem:s29+$0x1500] =	vst v6;
	v5 =	vmul.f32 v42, v23;
	v48 =	vsub.f32 $1.000000000e+00, v46;
	v49 =	vmul.f32 v45, v20  }
0x1cb: {  	v10 =	vsub.f32 v40, v41;
	[tilespmem:s29+$0x1480] =	vst v7;
	v50 =	vmul.f32 v11, v21;
	v51 =	vmul.f32 v47, v8  }
0x1cc: {  	v2 =	vmul.f32 v29, v2;
	[tilespmem:s29+$0x1C00] =	vst v4;
	v5 =	vadd.f32 $1.000000000e+00, v5;
	v52 =	vadd.f32 v49, v48  }
0x1cd: {  	[tilespmem:s29+$0x2400] =	vst v10;
	v54 =	vmul.f32 v50, v21;
	v53 =	vadd.f32 v51, v48  }
0x1ce: {  	v2 =	vadd.f32 v2, v3;
	v57 =	vmul.f32 v5, v21;
	v56 =	vmul.f32 v47, v20;
	[tilespmem:s0+$0x2500] =	vst v52  }
0x1cf: {  	v55 =	vmul.f32 v5, v8;
	v3 =	vmul.f32 v50, v20;
	v6 =	vadd.f32 v54, v48;
	[tilespmem:s0+$0x1400] =	vst v53  }
0x1d0: {  	v61 =	vmul.f32 v45, v8;
	v60 =	vadd.f32 v56, v57;
	[tilespmem:s29+$0x2480] =	vst v2  }
0x1d1: {  	v58 =	vmul.f32 v47, v21;
	v2 =	vsub.f32 v3, v55;
	v3 =	vmul.f32 v5, v20;
	[tilespmem:s0+$0x1C80] =	vst v6  }
0x1d2: {  	v59 =	vmul.f32 v50, v8;
	v63 =	vsub.f32 v61, v57;
	[tilespmem:s0+$0x1500] =	vst v60  }
0x1d3: {  	v62 =	vmul.f32 v45, v21;
	[tilespmem:s0+$0x1D00] =	vst v2;
	v2 =	vsub.f32 v58, v3  }
0x1d4: {  	[tilespmem:s0+$0x2400] =	vst v63;
	v3 =	vadd.f32 v59, v3  }
0x1d5: {  	[tilespmem:s0+$0x1480] =	vst v2;
	v2 =	vadd.f32 v62, v55  }
0x1d6: {  	s28 =	sadd.s32 $0x1, s28;
	[tilespmem:s0+$0x1C00] =	vst v3  }
0x1d7: {  	p0 =	sne.s32 s28, s11;
	[tilespmem:s0+$0x2480] =	vst v2  }
0x1d8: {  	[hbm4b:s10+s16] =	stream.strided.scatter [tilespmem:s26], [sflag:$0x7], $0x2000, s25, s16, $0x38;
	[tilespmem:$0x2E00] =	vst v63  }
.Ltmp12:
0x1d9: {  	_ = 	snop;
	(pc) =	sbr.rel @p0 .LBB2_1-.Ltmp12, $4  }
.Ltmp13:
0x1da: {  	_ = 	snop;
	(pc) =	sbr.rel @!p0 .LBB2_26-.Ltmp13, $4  }
0x1db: {  	_ =	swait.ge [sflag:s12], $0x2000  }
0x1dc: {  	[sflag:s12] =	ssyncset.done $0x0  }
0x1dd: {  	[sflag:s12] =	ssyncadd.s32 $0xFFFFE000  }
0x1de: {  	_ = 	snop  }
.LBB2_4:
.Ltmp14:
0x1df: {  	_ = 	snop;
	(pc) =	sbr.rel .LBB2_13-.Ltmp14, $2  }
0x1e0: {  	_ =	sdelay $0x2  }
0x1e1: {  	s31 =	simm.s32 $0x0;
	p4 =	por $0x0, $0x0;
	v2 =	vmov v3  }
.LBB2_14:
.Ltmp15:
0x1e2: {  	_ = 	snop;
	(pc) =	sbr.rel .LBB2_23-.Ltmp15, $2  }
0x1e3: {  	_ =	sdelay $0x2  }
0x1e4: {  	s31 =	smov.u32 s0;
	p1 =	por $0x0, $0x0;
	p2 =	por $0x0, $0x0;
	v2 =	vmov v3  }
.LBB2_6:
.Ltmp16:
0x1e5: {  	(pc) =	sbr.rel .LBB2_13-.Ltmp16, $2  }
0x1e6: {  	_ =	sdelay $0x2  }
0x1e7: {  	v31 =	vmov v3;
	v6 =	vmov v4;
	v11 =	vmov v5;
	s31 =	simm.s32 $0x10;
	s1 =	simm.s32 $0x0;
	p4 =	por $0x0, $0x0  }
.LBB2_16:
.Ltmp17:
0x1e8: {  	(pc) =	sbr.rel .LBB2_23-.Ltmp17, $2  }
0x1e9: {  	_ =	sdelay $0x2  }
0x1ea: {  	s30 =	smov.u32 s0;
	v31 =	vmov v3;
	v6 =	vmov v4;
	v11 =	vmov v5;
	s31 =	simm.s32 $0x10;
	p2 =	por $0x0, $0x0  }
.LBB2_8:
.Ltmp18:
0x1eb: {  	(pc) =	sbr.rel .LBB2_13-.Ltmp18, $4  }
0x1ec: {  	_ = 	snop  }
0x1ed: {  	v31 =	vmovc v2;
	v30 =	vmov v4;
	v26 =	vmov v9;
	v33 =	vmov v5  }
0x1ee: {  	v34 =	vmovc v3;
	v18 =	vmovc v7;
	v16 =	vmov v17;
	v27 =	vmov v8;
	v17 =	vmov v13  }
0x1ef: {  	s31 =	simm.s32 $0x20;
	s14 =	simm.s32 $0x0;
	v21 =	vmovc v10;
	p4 =	por $0x0, $0x0;
	v32 =	vmovc v15;
	v29 =	vmov v14;
	v24 =	vmov v12;
	v2 =	vmov v19  }
.LBB2_18:
.Ltmp19:
0x1f0: {  	(pc) =	sbr.rel .LBB2_23-.Ltmp19, $4  }
0x1f1: {  	_ = 	snop  }
0x1f2: {  	v31 =	vmovc v2;
	v30 =	vmov v4;
	v26 =	vmov v8;
	v33 =	vmov v5  }
0x1f3: {  	v34 =	vmovc v3;
	v18 =	vmovc v7;
	v16 =	vmov v17;
	v27 =	vmov v9;
	v17 =	vmov v12  }
0x1f4: {  	s31 =	simm.s32 $0x20;
	s14 =	smov.u32 s0;
	v21 =	vmovc v10;
	v32 =	vmovc v14;
	v29 =	vmov v15;
	v24 =	vmov v13;
	v2 =	vmov v19  }
.LBB2_10:
.Ltmp20:
0x1f5: {  	_ = 	snop;
	(pc) =	sbr.rel .LBB2_13-.Ltmp20, $3  }
0x1f6: {  	_ =	sdelay $0x1  }
0x1f7: {  	v30 =	vmov v6;
	v33 =	vmov v11  }
0x1f8: {  	v34 =	vmovc v2;
	s14 =	simm.s32 $0x10;
	s29 =	simm.s32 $0x0;
	s1 =	simm.s32 $0x20;
	v31 =	vmovc v19;
	v6 =	vmov v22;
	v11 =	vmov v20;
	v2 =	vmov v35  }
.LBB2_20:
.Ltmp21:
0x1f9: {  	_ = 	snop;
	(pc) =	sbr.rel .LBB2_23-.Ltmp21, $3  }
0x1fa: {  	_ =	sdelay $0x1  }
0x1fb: {  	v30 =	vmov v6;
	v33 =	vmov v11  }
0x1fc: {  	v34 =	vmovc v2;
	s14 =	simm.s32 $0x10;
	s29 =	smov.u32 s0;
	s30 =	simm.s32 $0x20;
	v31 =	vmovc v19;
	v6 =	vmov v23;
	v11 =	vmov v20;
	v2 =	vmov v35  }
.LBB2_26:
0x1fd: {  	_ =	sfence.sel $0x180000  }
0x1fe: {  	[bflag:$0x0] =	sbarrier.arrive $0xFFFF  }
0x1ff: {  	_ =	strace $0x90000047  }
0x200: {  	s0 =	stileid.u32;
	[bflag:$0x2] =	sbarrier.arrive $0xFFFF  }
0x201: {  	p0 =	sne.s32 s0, $0x0;
	s0 =	rddreg [dreg:$0x3]  }
0x202: {  	s0 =	sadd.s32 @!p0 $0x100000, s0  }
0x203: {  	[sflag:s0] =	ssyncadd.tile.s32 @!p0 $0x1;
	_ =	shalt  }
.Lfunc_end2:
_tile_overlayer_lowered:
.L_overlay_start_2:
0x204: {  	(tag) =	ssettag $0x2  }
0x205: {  	s0 =	rddreg [dreg:$0x0];
	s2 =	stileid.u32  }
0x206: {  	s1 =	rddreg [dreg:$0x1];
	p0 =	sne.s32 s2, $0x0  }
0x207: {  	s3 =	rddreg [dreg:$0x2];
	[bflag:$0x3] =	sbarrier.arrive $0xFFFF;
	s2 =	simm.s32 @!p0 $0x1C07  }
0x208: {  	[timem:s3], [sflag:s2] =	dma.local @!p0 [hbm:s0], s1  }
0x209: {  	s0 =	simm.s32 @!p0 $0x7  }
0x20a: {  	_ =	swait.ge @!p0 [sflag:s0], s1  }
0x20b: {  	s1 =	ssub.s32 @!p0 $0x0, s1;
	[sflag:s0] =	ssyncset.done @!p0 $0x0  }
0x20c: {  	[sflag:s0] =	ssyncadd.s32 @!p0 s1  }
0x20d: {  	[bflag:$0x3] =	sbarrier.arrive $0xFFFF  }
0x20e: {  	_ =	shalt  }

</sc_bundles>
